<compile_context>
chip_gen: v7x
topology: tpu7x:2x2x1
jax: 0.10.2.dev20260603
libtpu: 0.0.44.dev20260713+nightly
codegen_flags: <defaults>
</compile_context>

<pallas_src>
import functools

import jax
import jax.numpy as jnp
import numpy as np
from jax import lax
from jax.experimental import pallas as pl
from jax.experimental.pallas import tpu as pltpu
from jax.experimental.pallas import tpu_sc as plsc

NUM_GRAPHS = 512
N_NODES = 100000
D_NODE = 128
D_U = 64
D_REP = 128

NC = 2
NS = 16
NW = NC * NS

ROWS_IT = 256
SUB = ROWS_IT // 128
CNT_BLK = 20000
CNT_STEPS = 5

FULL_IT = N_NODES // ROWS_IT
TAIL_BASE = FULL_IT * ROWS_IT
TAIL_ROWS = N_NODES - TAIL_BASE
BASE_CH = FULL_IT // NW
EXTRA = FULL_IT - BASE_CH * NW
MAX_CH = BASE_CH + (1 if EXTRA else 0)
OUTER = (MAX_CH + 1) // 2

CNT_HI = 32
CNT_LO = 16

TAIL_WID = 7


def _sc_body(x_hbm, seg_hbm, zacc_hbm, sums_hbm,
             i00, i01, i10, i11, rows_v, acc_sh,
             sem_i0, sem_i1, sem_r0, sem_r1, sem_s0, sem_s1):
    c = lax.axis_index("c")
    s = lax.axis_index("s")
    wid = s * NC + c
    idx = ((i00, i01), (i10, i11))
    sem_i = (sem_i0, sem_i1)
    sem_r = (sem_r0, sem_r1)
    sem_s = (sem_s0, sem_s1)

    @pl.when(s == 0)
    def _():
        pltpu.sync_copy(zacc_hbm, acc_sh)

    plsc.subcore_barrier()

    n_ch = BASE_CH + jnp.where(wid < EXTRA, 1, 0)

    def start_in(ch, b):
        base = ch * ROWS_IT
        for j in range(SUB):
            pltpu.async_copy(seg_hbm.at[pl.ds(base + j * 128, 128)],
                             idx[b][j], sem_i[b])
        pltpu.async_copy(x_hbm.at[pl.ds(base, ROWS_IT)],
                         rows_v.at[b], sem_r[b])

    def wait_in(ch, b):
        base = ch * ROWS_IT
        for j in range(SUB):
            pltpu.make_async_copy(seg_hbm.at[pl.ds(base + j * 128, 128)],
                                  idx[b][j], sem_i[b]).wait()
        pltpu.make_async_copy(x_hbm.at[pl.ds(base, ROWS_IT)],
                              rows_v.at[b], sem_r[b]).wait()

    def fire_scatter(b):
        for j in range(SUB):
            pltpu.async_copy(rows_v.at[b].at[pl.ds(j * 128, 128)],
                             acc_sh.at[idx[b][j]], sem_s[b], add=True)

    def wait_scatter(b):
        for j in range(SUB):
            pltpu.make_async_copy(rows_v.at[b].at[pl.ds(j * 128, 128)],
                                  acc_sh.at[idx[b][j]],
                                  sem_s[b]).wait()

    start_in(wid, 0)

    def outer(g, carry):
        for b in range(2):
            k = g * 2 + b
            ch = k * NW + wid

            @pl.when(k < n_ch)
            def _():
                wait_in(ch, b)
                fire_scatter(b)

                @pl.when(k + 1 < n_ch)
                def _():
                    @pl.when(k >= 1)
                    def _():
                        wait_scatter(1 - b)

                    start_in(ch + NW, 1 - b)
        return carry

    lax.fori_loop(0, OUTER, outer, 0)

    wait_scatter(0)
    wait_scatter(1)

    @pl.when(wid == TAIL_WID)
    def _():
        pltpu.sync_copy(seg_hbm.at[pl.ds(TAIL_BASE, 128)], idx[0][0])
        pltpu.sync_copy(seg_hbm.at[pl.ds(TAIL_BASE + 128, TAIL_ROWS - 128)],
                        idx[0][1].at[pl.ds(0, TAIL_ROWS - 128)])
        for t in range((128 - (TAIL_ROWS - 128)) // 16):
            idx[0][1][pl.ds(TAIL_ROWS - 128 + t * 16, 16)] = jnp.full(
                (16,), NUM_GRAPHS, jnp.int32)
        pltpu.sync_copy(x_hbm.at[pl.ds(TAIL_BASE, TAIL_ROWS)],
                        rows_v.at[0].at[pl.ds(0, TAIL_ROWS)])
        fire_scatter(0)
        wait_scatter(0)

    plsc.subcore_barrier()

    @pl.when(s == 0)
    def _():
        pltpu.sync_copy(acc_sh.at[pl.ds(0, NUM_GRAPHS)], sums_hbm.at[c])


_sc_segment_sum = functools.partial(
    pl.kernel,
    out_type=jax.ShapeDtypeStruct((NC, NUM_GRAPHS, D_NODE), jnp.float32),
    mesh=plsc.VectorSubcoreMesh(core_axis_name="c", subcore_axis_name="s",
                                num_cores=NC, num_subcores=NS),
    scratch_types=(
        pltpu.VMEM((128,), jnp.int32),
        pltpu.VMEM((128,), jnp.int32),
        pltpu.VMEM((128,), jnp.int32),
        pltpu.VMEM((128,), jnp.int32),
        pltpu.VMEM((2, ROWS_IT, D_NODE), jnp.float32),
        pltpu.VMEM_SHARED((NUM_GRAPHS + 1, D_NODE), jnp.float32),
        pltpu.SemaphoreType.DMA,
        pltpu.SemaphoreType.DMA,
        pltpu.SemaphoreType.DMA,
        pltpu.SemaphoreType.DMA,
        pltpu.SemaphoreType.DMA,
        pltpu.SemaphoreType.DMA,
    ),
)(_sc_body)


def _cnt_body(ids_ref, o_ref):
    k = pl.program_id(0)
    ids = ids_ref[0]
    hi = ids >> 4
    lo = ids & 15
    a = (hi == lax.broadcasted_iota(jnp.int32, (CNT_HI, 1), 0))
    b = (lo == lax.broadcasted_iota(jnp.int32, (CNT_LO, 1), 0))
    contrib = lax.dot_general(a.astype(jnp.float32), b.astype(jnp.float32),
                              (((1,), (1,)), ((), ())),
                              preferred_element_type=jnp.float32)

    @pl.when(k == 0)
    def _():
        o_ref[...] = jnp.zeros_like(o_ref)

    o_ref[...] += contrib


def _mlp_body(ps_ref, pc_ref, u_ref, W1_ref, b1_ref, g_ref, be_ref,
              W2_ref, b2_ref, o_ref):
    sums = ps_ref[0] + ps_ref[1]
    cnt = pc_ref[...]
    mean = sums / jnp.maximum(cnt, 1.0)
    h = (lax.dot(u_ref[...], W1_ref[0:D_U, :],
                 precision=lax.Precision.HIGHEST,
                 preferred_element_type=jnp.float32)
         + lax.dot(mean, W1_ref[D_U:, :],
                   precision=lax.Precision.HIGHEST,
                   preferred_element_type=jnp.float32)
         + b1_ref[...])
    h = jnp.where(h >= 0, h, 0.01 * h)
    mu = jnp.mean(h, axis=-1, keepdims=True)
    var = jnp.mean((h - mu) ** 2, axis=-1, keepdims=True)
    h = (h - mu) * lax.rsqrt(var + 1e-5) * g_ref[...] + be_ref[...]
    o_ref[...] = (lax.dot(h, W2_ref[...],
                          precision=lax.Precision.HIGHEST,
                          preferred_element_type=jnp.float32)
                  + b2_ref[...])


def kernel(x, edge_index, edge_attr, u, batch, W1, b1, gamma, beta, W2, b2):
    del edge_index, edge_attr
    seg = batch.astype(jnp.int32)
    zacc = np.zeros((NUM_GRAPHS + 1, D_NODE), np.float32)

    counts = pl.pallas_call(
        _cnt_body,
        grid=(CNT_STEPS,),
        in_specs=[pl.BlockSpec((1, 1, CNT_BLK), lambda k: (k, 0, 0))],
        out_specs=pl.BlockSpec((CNT_HI, CNT_LO), lambda k: (0, 0)),
        out_shape=jax.ShapeDtypeStruct((CNT_HI, CNT_LO), jnp.float32),
    )(seg.reshape(CNT_STEPS, 1, CNT_BLK))
    counts = counts.reshape(NUM_GRAPHS, 1)

    part_sums = _sc_segment_sum(x, seg, zacc)

    out = pl.pallas_call(
        _mlp_body,
        out_shape=jax.ShapeDtypeStruct((NUM_GRAPHS, D_REP), jnp.float32),
    )(part_sums, counts, u, W1,
      b1.reshape(1, D_REP), gamma.reshape(1, D_REP),
      beta.reshape(1, D_REP), W2, b2.reshape(1, D_REP))
    return out

# --- scband reference (transcript-rebuilt; emitter-appended) ---
"""Pipeline reference for scband-global-model-2370821947610 (READ-ONLY COPY).

The authoritative reference and input builder live on the scoring server;
editing this copy changes nothing except your own understanding.
"""

import jax, jax.numpy as jnp
import numpy as np

NUM_GRAPHS = 512
N_NODES = 100000
N_EDGES = 1600000
D_NODE = 128
D_EDGE = 16
D_U = 64
D_REP = 128

def setup_inputs(seed: int = 0) -> dict:
    key = jax.random.key(seed)
    ks = jax.random.split(key, 12)
    x = jax.random.normal(ks[0], (N_NODES, D_NODE), dtype=jnp.float32)
    edge_index = jax.random.randint(ks[1], (2, N_EDGES), 0, N_NODES, dtype=jnp.int64)
    edge_attr = jax.random.normal(ks[2], (N_EDGES, D_EDGE), dtype=jnp.float32)
    u = jax.random.normal(ks[3], (NUM_GRAPHS, D_U), dtype=jnp.float32)
    batch = jnp.sort(jax.random.randint(ks[4], (N_NODES,), 0, NUM_GRAPHS, dtype=jnp.int64))
    d_in = D_NODE + D_U
    W1 = jax.random.normal(ks[5], (d_in, D_REP), dtype=jnp.float32) * 0.05
    b1 = jnp.zeros((D_REP,), dtype=jnp.float32)
    gamma = jnp.ones((D_REP,), dtype=jnp.float32)
    beta = jnp.zeros((D_REP,), dtype=jnp.float32)
    W2 = jax.random.normal(ks[6], (D_REP, D_REP), dtype=jnp.float32) * 0.05
    b2 = jnp.zeros((D_REP,), dtype=jnp.float32)
    return {"x": x, "edge_index": edge_index, "edge_attr": edge_attr, "u": u, "batch": batch,
            "W1": W1, "b1": b1, "gamma": gamma, "beta": beta, "W2": W2, "b2": b2}

def reference(x, edge_index, edge_attr, u, batch, W1, b1, gamma, beta, W2, b2):
    # scatter_mean(x, batch, dim=0) -> per-graph mean of node features
    seg = batch.astype(jnp.int32)
    sums = jax.ops.segment_sum(x, seg, num_segments=NUM_GRAPHS)
    counts = jax.ops.segment_sum(jnp.ones((x.shape[0],), dtype=x.dtype), seg, num_segments=NUM_GRAPHS)
    mean = sums / jnp.maximum(counts, 1.0)[:, None]
    out = jnp.concatenate([u, mean], axis=1)
    # Linear -> LeakyReLU -> LayerNorm -> Identity -> Linear
    h = out @ W1 + b1
    h = jnp.where(h >= 0, h, 0.01 * h)
    mu = jnp.mean(h, axis=-1, keepdims=True)
    var = jnp.mean((h - mu) ** 2, axis=-1, keepdims=True)
    h = (h - mu) / jnp.sqrt(var + 1e-5) * gamma + beta
    return h @ W2 + b2

if __name__ == "__main__":
    import jax
    _d = setup_inputs()
    print(jax.jit(kernel)(*tuple(_d.values())))

</pallas_src>

<mosaic_0001>
#map = affine_map<(d0, d1) -> (0, 0)>
#map1 = affine_map<(d0, d1) -> (0)>
#map2 = affine_map<(d0, d1) -> (0, 0, 0)>
module attributes {stable_mosaic.version = 14 : i64} {
  func.func @_sc_body(%arg0: i32, %arg1: i32, %arg2: memref<100000x128xf32, #tpu.memory_space<hbm>>, %arg3: memref<100000xi32, #tpu.memory_space<hbm>>, %arg4: memref<513x128xf32, #tpu.memory_space<hbm>>, %arg5: memref<2x512x128xf32, #tpu.memory_space<hbm>>, %arg6: memref<128xi32, #tpu.memory_space<vmem>>, %arg7: memref<128xi32, #tpu.memory_space<vmem>>, %arg8: memref<128xi32, #tpu.memory_space<vmem>>, %arg9: memref<128xi32, #tpu.memory_space<vmem>>, %arg10: memref<2x256x128xf32, #tpu.memory_space<vmem>>, %arg11: memref<513x128xf32, #tpu.memory_space<vmem_shared>>, %arg12: memref<!tpu.dma_semaphore, #tpu.memory_space<semaphore_mem>>, %arg13: memref<!tpu.dma_semaphore, #tpu.memory_space<semaphore_mem>>, %arg14: memref<!tpu.dma_semaphore, #tpu.memory_space<semaphore_mem>>, %arg15: memref<!tpu.dma_semaphore, #tpu.memory_space<semaphore_mem>>, %arg16: memref<!tpu.dma_semaphore, #tpu.memory_space<semaphore_mem>>, %arg17: memref<!tpu.dma_semaphore, #tpu.memory_space<semaphore_mem>>) attributes {dimension_semantics = [#tpu.dimension_semantics<core_parallel>, #tpu.dimension_semantics<subcore_parallel>], iteration_bounds = array<i64: 2, 16>, scalar_prefetch = 0 : i64, scratch_operands = 12 : i64, tpu.core_type = #tpu.core_type<sc_vector_subcore>, window_params = [{transform_indices = #map}, {transform_indices = #map1}, {transform_indices = #map}, {transform_indices = #map2}]} {
    %mul3A = arith.constant 2 : i32
    %mul3A_0 = arith.muli %arg1, %mul3A : i32
    %add3A = arith.addi %mul3A_0, %arg0 : i32
    %eq3A = arith.constant 0 : i32
    %eq3A_1 = arith.cmpi eq, %arg1, %eq3A : i32
    %convert_element_type3A = arith.extui %eq3A_1 : i1 to i32
    %cond3A = arith.constant 0 : i32
    %cond3A_2 = arith.cmpi ne, %convert_element_type3A, %cond3A : i32
    scf.if %cond3A_2 {
      "tpu.region"() ({
        %run_scoped3A = tpu.sem_alloc : memref<!tpu.dma_semaphore, #tpu.memory_space<semaphore_mem>>
        tpu.enqueue_dma source(%arg4 : memref<513x128xf32, #tpu.memory_space<hbm>>) target(%arg11 : memref<513x128xf32, #tpu.memory_space<vmem_shared>>) target_semaphore(%run_scoped3A : memref<!tpu.dma_semaphore, #tpu.memory_space<semaphore_mem>>)
        tpu.wait_dma2 semaphore(%run_scoped3A : memref<!tpu.dma_semaphore, #tpu.memory_space<semaphore_mem>>) src(%arg4 : memref<513x128xf32, #tpu.memory_space<hbm>>) dst(%arg11 : memref<513x128xf32, #tpu.memory_space<vmem_shared>>)
        tpu.yield
      }) : () -> ()
    } else {
    }
    %barrier3A = arith.constant 0 : index
    tpu.barrier barrier_id(%barrier3A)
    %lt3A = arith.constant 6 : i32
    %lt3A_3 = arith.cmpi slt, %add3A, %lt3A : i32
    %jit3A = arith.constant 1 : i32
    %jit3A_4 = arith.constant 0 : i32
    %select_n3A = arith.select %lt3A_3, %jit3A, %jit3A_4 : i32
    %add3A_5 = arith.constant 12 : i32
    %add3A_6 = arith.addi %add3A_5, %select_n3A : i32
    %mul3A_7 = arith.constant 256 : i32
    %mul3A_8 = arith.muli %add3A, %mul3A_7 : i32
    %add3A_9 = arith.constant 0 : i32
    %add3A_10 = arith.addi %mul3A_8, %add3A_9 : i32
    %dma_start3A = tpu.memref_slice %arg3[%add3A_10] : memref<100000xi32, #tpu.memory_space<hbm>> -> memref<128xi32, #tpu.memory_space<hbm>>
    %dma_start3A_11 = tpu.memref_slice %arg3[%add3A_10] : memref<100000xi32, #tpu.memory_space<hbm>> -> memref<128xi32, #tpu.memory_space<hbm>>
    tpu.enqueue_dma source(%dma_start3A_11 : memref<128xi32, #tpu.memory_space<hbm>>) target(%arg6 : memref<128xi32, #tpu.memory_space<vmem>>) target_semaphore(%arg12 : memref<!tpu.dma_semaphore, #tpu.memory_space<semaphore_mem>>)
    %add3A_12 = arith.constant 128 : i32
    %add3A_13 = arith.addi %mul3A_8, %add3A_12 : i32
    %dma_start3A_14 = tpu.memref_slice %arg3[%add3A_13] : memref<100000xi32, #tpu.memory_space<hbm>> -> memref<128xi32, #tpu.memory_space<hbm>>
    %dma_start3A_15 = tpu.memref_slice %arg3[%add3A_13] : memref<100000xi32, #tpu.memory_space<hbm>> -> memref<128xi32, #tpu.memory_space<hbm>>
    tpu.enqueue_dma source(%dma_start3A_15 : memref<128xi32, #tpu.memory_space<hbm>>) target(%arg7 : memref<128xi32, #tpu.memory_space<vmem>>) target_semaphore(%arg12 : memref<!tpu.dma_semaphore, #tpu.memory_space<semaphore_mem>>)
    %dma_start3A_16 = arith.constant 0 : i32
    %dma_start3A_17 = arith.constant 0 : i32
    %dma_start3A_18 = arith.constant 0 : i32
    %dma_start3A_19 = tpu.memref_slice %arg10[%dma_start3A_16, %dma_start3A_17, %dma_start3A_18] : memref<2x256x128xf32, #tpu.memory_space<vmem>> -> memref<1x256x128xf32, #tpu.memory_space<vmem>>
    %dma_start3A_20 = tpu.memref_squeeze %dma_start3A_19 : memref<1x256x128xf32, #tpu.memory_space<vmem>> -> memref<256x128xf32, #tpu.memory_space<vmem>>
    %dma_start3A_21 = arith.constant 0 : i32
    %dma_start3A_22 = tpu.memref_slice %arg2[%mul3A_8, %dma_start3A_21] : memref<100000x128xf32, #tpu.memory_space<hbm>> -> memref<256x128xf32, #tpu.memory_space<hbm>>
    %dma_start3A_23 = arith.constant 0 : i32
    %dma_start3A_24 = arith.constant 0 : i32
    %dma_start3A_25 = tpu.memref_slice %arg10[%dma_start3A_16, %dma_start3A_23, %dma_start3A_24] : memref<2x256x128xf32, #tpu.memory_space<vmem>> -> memref<1x256x128xf32, #tpu.memory_space<vmem>>
    %dma_start3A_26 = tpu.memref_squeeze %dma_start3A_25 : memref<1x256x128xf32, #tpu.memory_space<vmem>> -> memref<256x128xf32, #tpu.memory_space<vmem>>
    %dma_start3A_27 = arith.constant 0 : i32
    %dma_start3A_28 = tpu.memref_slice %arg2[%mul3A_8, %dma_start3A_27] : memref<100000x128xf32, #tpu.memory_space<hbm>> -> memref<256x128xf32, #tpu.memory_space<hbm>>
    tpu.enqueue_dma source(%dma_start3A_28 : memref<256x128xf32, #tpu.memory_space<hbm>>) target(%dma_start3A_26 : memref<256x128xf32, #tpu.memory_space<vmem>>) target_semaphore(%arg14 : memref<!tpu.dma_semaphore, #tpu.memory_space<semaphore_mem>>)
    %scan3A = arith.constant 0 : i32
    %scan3A_29 = arith.constant 0 : i32
    %scan3A_30 = arith.constant 7 : i32
    %scan3A_31 = arith.addi %scan3A_29, %scan3A_30 : i32
    %scan3A_32 = arith.constant 1 : i32
    scf.for %scan3A_88 = %scan3A_29 to %scan3A_31 step %scan3A_32  : i32 {
      %mul3A_89 = arith.constant 2 : i32
      %mul3A_90 = arith.muli %scan3A_88, %mul3A_89 : i32
      %add3A_91 = arith.constant 0 : i32
      %add3A_92 = arith.addi %mul3A_90, %add3A_91 : i32
      %mul3A_93 = arith.constant 32 : i32
      %mul3A_94 = arith.muli %add3A_92, %mul3A_93 : i32
      %add3A_95 = arith.addi %mul3A_94, %add3A : i32
      %lt3A_96 = arith.cmpi slt, %add3A_92, %add3A_6 : i32
      %convert_element_type3A_97 = arith.extui %lt3A_96 : i1 to i32
      %cond3A_98 = arith.constant 0 : i32
      %cond3A_99 = arith.cmpi ne, %convert_element_type3A_97, %cond3A_98 : i32
      scf.if %cond3A_99 {
        %mul3A_111 = arith.constant 256 : i32
        %mul3A_112 = arith.muli %add3A_95, %mul3A_111 : i32
        %add3A_113 = arith.constant 0 : i32
        %add3A_114 = arith.addi %mul3A_112, %add3A_113 : i32
        %dma_wait3A_115 = tpu.memref_slice %arg3[%add3A_114] : memref<100000xi32, #tpu.memory_space<hbm>> -> memref<128xi32, #tpu.memory_space<hbm>>
        %dma_wait3A_116 = tpu.memref_slice %arg3[%add3A_114] : memref<100000xi32, #tpu.memory_space<hbm>> -> memref<128xi32, #tpu.memory_space<hbm>>
        tpu.wait_dma2 semaphore(%arg12 : memref<!tpu.dma_semaphore, #tpu.memory_space<semaphore_mem>>) src(%dma_wait3A_116 : memref<128xi32, #tpu.memory_space<hbm>>) dst(%arg6 : memref<128xi32, #tpu.memory_space<vmem>>)
        %add3A_117 = arith.constant 128 : i32
        %add3A_118 = arith.addi %mul3A_112, %add3A_117 : i32
        %dma_wait3A_119 = tpu.memref_slice %arg3[%add3A_118] : memref<100000xi32, #tpu.memory_space<hbm>> -> memref<128xi32, #tpu.memory_space<hbm>>
        %dma_wait3A_120 = tpu.memref_slice %arg3[%add3A_118] : memref<100000xi32, #tpu.memory_space<hbm>> -> memref<128xi32, #tpu.memory_space<hbm>>
        tpu.wait_dma2 semaphore(%arg12 : memref<!tpu.dma_semaphore, #tpu.memory_space<semaphore_mem>>) src(%dma_wait3A_120 : memref<128xi32, #tpu.memory_space<hbm>>) dst(%arg7 : memref<128xi32, #tpu.memory_space<vmem>>)
        %dma_wait3A_121 = arith.constant 0 : i32
        %dma_wait3A_122 = arith.constant 0 : i32
        %dma_wait3A_123 = arith.constant 0 : i32
        %dma_wait3A_124 = tpu.memref_slice %arg10[%dma_wait3A_121, %dma_wait3A_122, %dma_wait3A_123] : memref<2x256x128xf32, #tpu.memory_space<vmem>> -> memref<1x256x128xf32, #tpu.memory_space<vmem>>
        %dma_wait3A_125 = tpu.memref_squeeze %dma_wait3A_124 : memref<1x256x128xf32, #tpu.memory_space<vmem>> -> memref<256x128xf32, #tpu.memory_space<vmem>>
        %dma_wait3A_126 = arith.constant 0 : i32
        %dma_wait3A_127 = tpu.memref_slice %arg2[%mul3A_112, %dma_wait3A_126] : memref<100000x128xf32, #tpu.memory_space<hbm>> -> memref<256x128xf32, #tpu.memory_space<hbm>>
        %dma_wait3A_128 = arith.constant 0 : i32
        %dma_wait3A_129 = arith.constant 0 : i32
        %dma_wait3A_130 = tpu.memref_slice %arg10[%dma_wait3A_121, %dma_wait3A_128, %dma_wait3A_129] : memref<2x256x128xf32, #tpu.memory_space<vmem>> -> memref<1x256x128xf32, #tpu.memory_space<vmem>>
        %dma_wait3A_131 = tpu.memref_squeeze %dma_wait3A_130 : memref<1x256x128xf32, #tpu.memory_space<vmem>> -> memref<256x128xf32, #tpu.memory_space<vmem>>
        %dma_wait3A_132 = arith.constant 0 : i32
        %dma_wait3A_133 = tpu.memref_slice %arg2[%mul3A_112, %dma_wait3A_132] : memref<100000x128xf32, #tpu.memory_space<hbm>> -> memref<256x128xf32, #tpu.memory_space<hbm>>
        tpu.wait_dma2 semaphore(%arg14 : memref<!tpu.dma_semaphore, #tpu.memory_space<semaphore_mem>>) src(%dma_wait3A_133 : memref<256x128xf32, #tpu.memory_space<hbm>>) dst(%dma_wait3A_131 : memref<256x128xf32, #tpu.memory_space<vmem>>)
        %dma_start3A_134 = arith.constant 0 : i32
        %dma_start3A_135 = arith.constant 0 : i32
        %dma_start3A_136 = arith.constant 0 : i32
        %dma_start3A_137 = tpu.memref_slice %arg10[%dma_start3A_134, %dma_start3A_135, %dma_start3A_136] : memref<2x256x128xf32, #tpu.memory_space<vmem>> -> memref<1x256x128xf32, #tpu.memory_space<vmem>>
        %dma_start3A_138 = tpu.memref_squeeze %dma_start3A_137 : memref<1x256x128xf32, #tpu.memory_space<vmem>> -> memref<256x128xf32, #tpu.memory_space<vmem>>
        %dma_start3A_139 = arith.constant 0 : i32
        %dma_start3A_140 = arith.constant 0 : i32
        %dma_start3A_141 = tpu.memref_slice %dma_start3A_138[%dma_start3A_139, %dma_start3A_140] : memref<256x128xf32, #tpu.memory_space<vmem>> -> memref<128x128xf32, #tpu.memory_space<vmem>>
        %dma_start3A_142 = arith.constant 0 : i32
        %dma_start3A_143 = arith.constant 0 : i32
        %dma_start3A_144 = tpu.memref_slice %arg11[%dma_start3A_142, %dma_start3A_143] : memref<513x128xf32, #tpu.memory_space<vmem_shared>> -> memref<513x128xf32, #tpu.memory_space<vmem_shared>>
        tpu.enqueue_indirect_dma source(%dma_start3A_141 : memref<128x128xf32, #tpu.memory_space<vmem>>) target(%dma_start3A_144 : memref<513x128xf32, #tpu.memory_space<vmem_shared>>) offsets(%arg6 : memref<128xi32, #tpu.memory_space<vmem>>) semaphore(%arg16 : memref<!tpu.dma_semaphore, #tpu.memory_space<semaphore_mem>>) {add = true}
        %dma_start3A_145 = arith.constant 0 : i32
        %dma_start3A_146 = arith.constant 0 : i32
        %dma_start3A_147 = arith.constant 0 : i32
        %dma_start3A_148 = tpu.memref_slice %arg10[%dma_start3A_145, %dma_start3A_146, %dma_start3A_147] : memref<2x256x128xf32, #tpu.memory_space<vmem>> -> memref<1x256x128xf32, #tpu.memory_space<vmem>>
        %dma_start3A_149 = tpu.memref_squeeze %dma_start3A_148 : memref<1x256x128xf32, #tpu.memory_space<vmem>> -> memref<256x128xf32, #tpu.memory_space<vmem>>
        %dma_start3A_150 = arith.constant 128 : i32
        %dma_start3A_151 = arith.constant 0 : i32
        %dma_start3A_152 = tpu.memref_slice %dma_start3A_149[%dma_start3A_150, %dma_start3A_151] : memref<256x128xf32, #tpu.memory_space<vmem>> -> memref<128x128xf32, #tpu.memory_space<vmem>>
        %dma_start3A_153 = arith.constant 0 : i32
        %dma_start3A_154 = arith.constant 0 : i32
        %dma_start3A_155 = tpu.memref_slice %arg11[%dma_start3A_153, %dma_start3A_154] : memref<513x128xf32, #tpu.memory_space<vmem_shared>> -> memref<513x128xf32, #tpu.memory_space<vmem_shared>>
        tpu.enqueue_indirect_dma source(%dma_start3A_152 : memref<128x128xf32, #tpu.memory_space<vmem>>) target(%dma_start3A_155 : memref<513x128xf32, #tpu.memory_space<vmem_shared>>) offsets(%arg7 : memref<128xi32, #tpu.memory_space<vmem>>) semaphore(%arg16 : memref<!tpu.dma_semaphore, #tpu.memory_space<semaphore_mem>>) {add = true}
        %add3A_156 = arith.constant 1 : i32
        %add3A_157 = arith.addi %add3A_92, %add3A_156 : i32
        %lt3A_158 = arith.cmpi slt, %add3A_157, %add3A_6 : i32
        %convert_element_type3A_159 = arith.extui %lt3A_158 : i1 to i32
        %cond3A_160 = arith.constant 0 : i32
        %cond3A_161 = arith.cmpi ne, %convert_element_type3A_159, %cond3A_160 : i32
        scf.if %cond3A_161 {
          %ge3A = arith.constant 1 : i32
          %ge3A_162 = arith.cmpi sge, %add3A_92, %ge3A : i32
          %convert_element_type3A_163 = arith.extui %ge3A_162 : i1 to i32
          %cond3A_164 = arith.constant 0 : i32
          %cond3A_165 = arith.cmpi ne, %convert_element_type3A_163, %cond3A_164 : i32
          scf.if %cond3A_165 {
            %dma_wait3A_191 = arith.constant 1 : i32
            %dma_wait3A_192 = arith.constant 0 : i32
            %dma_wait3A_193 = arith.constant 0 : i32
            %dma_wait3A_194 = tpu.memref_slice %arg10[%dma_wait3A_191, %dma_wait3A_192, %dma_wait3A_193] : memref<2x256x128xf32, #tpu.memory_space<vmem>> -> memref<1x256x128xf32, #tpu.memory_space<vmem>>
            %dma_wait3A_195 = tpu.memref_squeeze %dma_wait3A_194 : memref<1x256x128xf32, #tpu.memory_space<vmem>> -> memref<256x128xf32, #tpu.memory_space<vmem>>
            %dma_wait3A_196 = arith.constant 0 : i32
            %dma_wait3A_197 = arith.constant 0 : i32
            %dma_wait3A_198 = tpu.memref_slice %dma_wait3A_195[%dma_wait3A_196, %dma_wait3A_197] : memref<256x128xf32, #tpu.memory_space<vmem>> -> memref<128x128xf32, #tpu.memory_space<vmem>>
            %dma_wait3A_199 = arith.constant 0 : i32
            %dma_wait3A_200 = arith.constant 0 : i32
            %dma_wait3A_201 = tpu.memref_slice %arg11[%dma_wait3A_199, %dma_wait3A_200] : memref<513x128xf32, #tpu.memory_space<vmem_shared>> -> memref<513x128xf32, #tpu.memory_space<vmem_shared>>
            tpu.wait_indirect_dma semaphore(%arg17 : memref<!tpu.dma_semaphore, #tpu.memory_space<semaphore_mem>>) src(%dma_wait3A_198 : memref<128x128xf32, #tpu.memory_space<vmem>>) dst(%dma_wait3A_201 : memref<513x128xf32, #tpu.memory_space<vmem_shared>>)
            %dma_wait3A_202 = arith.constant 1 : i32
            %dma_wait3A_203 = arith.constant 0 : i32
            %dma_wait3A_204 = arith.constant 0 : i32
            %dma_wait3A_205 = tpu.memref_slice %arg10[%dma_wait3A_202, %dma_wait3A_203, %dma_wait3A_204] : memref<2x256x128xf32, #tpu.memory_space<vmem>> -> memref<1x256x128xf32, #tpu.memory_space<vmem>>
            %dma_wait3A_206 = tpu.memref_squeeze %dma_wait3A_205 : memref<1x256x128xf32, #tpu.memory_space<vmem>> -> memref<256x128xf32, #tpu.memory_space<vmem>>
            %dma_wait3A_207 = arith.constant 128 : i32
            %dma_wait3A_208 = arith.constant 0 : i32
            %dma_wait3A_209 = tpu.memref_slice %dma_wait3A_206[%dma_wait3A_207, %dma_wait3A_208] : memref<256x128xf32, #tpu.memory_space<vmem>> -> memref<128x128xf32, #tpu.memory_space<vmem>>
            %dma_wait3A_210 = arith.constant 0 : i32
            %dma_wait3A_211 = arith.constant 0 : i32
            %dma_wait3A_212 = tpu.memref_slice %arg11[%dma_wait3A_210, %dma_wait3A_211] : memref<513x128xf32, #tpu.memory_space<vmem_shared>> -> memref<513x128xf32, #tpu.memory_space<vmem_shared>>
            tpu.wait_indirect_dma semaphore(%arg17 : memref<!tpu.dma_semaphore, #tpu.memory_space<semaphore_mem>>) src(%dma_wait3A_209 : memref<128x128xf32, #tpu.memory_space<vmem>>) dst(%dma_wait3A_212 : memref<513x128xf32, #tpu.memory_space<vmem_shared>>)
          } else {
          }
          %add3A_166 = arith.constant 32 : i32
          %add3A_167 = arith.addi %add3A_95, %add3A_166 : i32
          %mul3A_168 = arith.constant 256 : i32
          %mul3A_169 = arith.muli %add3A_167, %mul3A_168 : i32
          %add3A_170 = arith.constant 0 : i32
          %add3A_171 = arith.addi %mul3A_169, %add3A_170 : i32
          %dma_start3A_172 = tpu.memref_slice %arg3[%add3A_171] : memref<100000xi32, #tpu.memory_space<hbm>> -> memref<128xi32, #tpu.memory_space<hbm>>
          %dma_start3A_173 = tpu.memref_slice %arg3[%add3A_171] : memref<100000xi32, #tpu.memory_space<hbm>> -> memref<128xi32, #tpu.memory_space<hbm>>
          tpu.enqueue_dma source(%dma_start3A_173 : memref<128xi32, #tpu.memory_space<hbm>>) target(%arg8 : memref<128xi32, #tpu.memory_space<vmem>>) target_semaphore(%arg13 : memref<!tpu.dma_semaphore, #tpu.memory_space<semaphore_mem>>)
          %add3A_174 = arith.constant 128 : i32
          %add3A_175 = arith.addi %mul3A_169, %add3A_174 : i32
          %dma_start3A_176 = tpu.memref_slice %arg3[%add3A_175] : memref<100000xi32, #tpu.memory_space<hbm>> -> memref<128xi32, #tpu.memory_space<hbm>>
          %dma_start3A_177 = tpu.memref_slice %arg3[%add3A_175] : memref<100000xi32, #tpu.memory_space<hbm>> -> memref<128xi32, #tpu.memory_space<hbm>>
          tpu.enqueue_dma source(%dma_start3A_177 : memref<128xi32, #tpu.memory_space<hbm>>) target(%arg9 : memref<128xi32, #tpu.memory_space<vmem>>) target_semaphore(%arg13 : memref<!tpu.dma_semaphore, #tpu.memory_space<semaphore_mem>>)
          %dma_start3A_178 = arith.constant 1 : i32
          %dma_start3A_179 = arith.constant 0 : i32
          %dma_start3A_180 = arith.constant 0 : i32
          %dma_start3A_181 = tpu.memref_slice %arg10[%dma_start3A_178, %dma_start3A_179, %dma_start3A_180] : memref<2x256x128xf32, #tpu.memory_space<vmem>> -> memref<1x256x128xf32, #tpu.memory_space<vmem>>
          %dma_start3A_182 = tpu.memref_squeeze %dma_start3A_181 : memref<1x256x128xf32, #tpu.memory_space<vmem>> -> memref<256x128xf32, #tpu.memory_space<vmem>>
          %dma_start3A_183 = arith.constant 0 : i32
          %dma_start3A_184 = tpu.memref_slice %arg2[%mul3A_169, %dma_start3A_183] : memref<100000x128xf32, #tpu.memory_space<hbm>> -> memref<256x128xf32, #tpu.memory_space<hbm>>
          %dma_start3A_185 = arith.constant 0 : i32
          %dma_start3A_186 = arith.constant 0 : i32
          %dma_start3A_187 = tpu.memref_slice %arg10[%dma_start3A_178, %dma_start3A_185, %dma_start3A_186] : memref<2x256x128xf32, #tpu.memory_space<vmem>> -> memref<1x256x128xf32, #tpu.memory_space<vmem>>
          %dma_start3A_188 = tpu.memref_squeeze %dma_start3A_187 : memref<1x256x128xf32, #tpu.memory_space<vmem>> -> memref<256x128xf32, #tpu.memory_space<vmem>>
          %dma_start3A_189 = arith.constant 0 : i32
          %dma_start3A_190 = tpu.memref_slice %arg2[%mul3A_169, %dma_start3A_189] : memref<100000x128xf32, #tpu.memory_space<hbm>> -> memref<256x128xf32, #tpu.memory_space<hbm>>
          tpu.enqueue_dma source(%dma_start3A_190 : memref<256x128xf32, #tpu.memory_space<hbm>>) target(%dma_start3A_188 : memref<256x128xf32, #tpu.memory_space<vmem>>) target_semaphore(%arg15 : memref<!tpu.dma_semaphore, #tpu.memory_space<semaphore_mem>>)
        } else {
        }
      } else {
      }
      %mul3A_100 = arith.constant 2 : i32
      %mul3A_101 = arith.muli %scan3A_88, %mul3A_100 : i32
      %add3A_102 = arith.constant 1 : i32
      %add3A_103 = arith.addi %mul3A_101, %add3A_102 : i32
      %mul3A_104 = arith.constant 32 : i32
      %mul3A_105 = arith.muli %add3A_103, %mul3A_104 : i32
      %add3A_106 = arith.addi %mul3A_105, %add3A : i32
      %lt3A_107 = arith.cmpi slt, %add3A_103, %add3A_6 : i32
      %convert_element_type3A_108 = arith.extui %lt3A_107 : i1 to i32
      %cond3A_109 = arith.constant 0 : i32
      %cond3A_110 = arith.cmpi ne, %convert_element_type3A_108, %cond3A_109 : i32
      scf.if %cond3A_110 {
        %mul3A_111 = arith.constant 256 : i32
        %mul3A_112 = arith.muli %add3A_106, %mul3A_111 : i32
        %add3A_113 = arith.constant 0 : i32
        %add3A_114 = arith.addi %mul3A_112, %add3A_113 : i32
        %dma_wait3A_115 = tpu.memref_slice %arg3[%add3A_114] : memref<100000xi32, #tpu.memory_space<hbm>> -> memref<128xi32, #tpu.memory_space<hbm>>
        %dma_wait3A_116 = tpu.memref_slice %arg3[%add3A_114] : memref<100000xi32, #tpu.memory_space<hbm>> -> memref<128xi32, #tpu.memory_space<hbm>>
        tpu.wait_dma2 semaphore(%arg13 : memref<!tpu.dma_semaphore, #tpu.memory_space<semaphore_mem>>) src(%dma_wait3A_116 : memref<128xi32, #tpu.memory_space<hbm>>) dst(%arg8 : memref<128xi32, #tpu.memory_space<vmem>>)
        %add3A_117 = arith.constant 128 : i32
        %add3A_118 = arith.addi %mul3A_112, %add3A_117 : i32
        %dma_wait3A_119 = tpu.memref_slice %arg3[%add3A_118] : memref<100000xi32, #tpu.memory_space<hbm>> -> memref<128xi32, #tpu.memory_space<hbm>>
        %dma_wait3A_120 = tpu.memref_slice %arg3[%add3A_118] : memref<100000xi32, #tpu.memory_space<hbm>> -> memref<128xi32, #tpu.memory_space<hbm>>
        tpu.wait_dma2 semaphore(%arg13 : memref<!tpu.dma_semaphore, #tpu.memory_space<semaphore_mem>>) src(%dma_wait3A_120 : memref<128xi32, #tpu.memory_space<hbm>>) dst(%arg9 : memref<128xi32, #tpu.memory_space<vmem>>)
        %dma_wait3A_121 = arith.constant 1 : i32
        %dma_wait3A_122 = arith.constant 0 : i32
        %dma_wait3A_123 = arith.constant 0 : i32
        %dma_wait3A_124 = tpu.memref_slice %arg10[%dma_wait3A_121, %dma_wait3A_122, %dma_wait3A_123] : memref<2x256x128xf32, #tpu.memory_space<vmem>> -> memref<1x256x128xf32, #tpu.memory_space<vmem>>
        %dma_wait3A_125 = tpu.memref_squeeze %dma_wait3A_124 : memref<1x256x128xf32, #tpu.memory_space<vmem>> -> memref<256x128xf32, #tpu.memory_space<vmem>>
        %dma_wait3A_126 = arith.constant 0 : i32
        %dma_wait3A_127 = tpu.memref_slice %arg2[%mul3A_112, %dma_wait3A_126] : memref<100000x128xf32, #tpu.memory_space<hbm>> -> memref<256x128xf32, #tpu.memory_space<hbm>>
        %dma_wait3A_128 = arith.constant 0 : i32
        %dma_wait3A_129 = arith.constant 0 : i32
        %dma_wait3A_130 = tpu.memref_slice %arg10[%dma_wait3A_121, %dma_wait3A_128, %dma_wait3A_129] : memref<2x256x128xf32, #tpu.memory_space<vmem>> -> memref<1x256x128xf32, #tpu.memory_space<vmem>>
        %dma_wait3A_131 = tpu.memref_squeeze %dma_wait3A_130 : memref<1x256x128xf32, #tpu.memory_space<vmem>> -> memref<256x128xf32, #tpu.memory_space<vmem>>
        %dma_wait3A_132 = arith.constant 0 : i32
        %dma_wait3A_133 = tpu.memref_slice %arg2[%mul3A_112, %dma_wait3A_132] : memref<100000x128xf32, #tpu.memory_space<hbm>> -> memref<256x128xf32, #tpu.memory_space<hbm>>
        tpu.wait_dma2 semaphore(%arg15 : memref<!tpu.dma_semaphore, #tpu.memory_space<semaphore_mem>>) src(%dma_wait3A_133 : memref<256x128xf32, #tpu.memory_space<hbm>>) dst(%dma_wait3A_131 : memref<256x128xf32, #tpu.memory_space<vmem>>)
        %dma_start3A_134 = arith.constant 1 : i32
        %dma_start3A_135 = arith.constant 0 : i32
        %dma_start3A_136 = arith.constant 0 : i32
        %dma_start3A_137 = tpu.memref_slice %arg10[%dma_start3A_134, %dma_start3A_135, %dma_start3A_136] : memref<2x256x128xf32, #tpu.memory_space<vmem>> -> memref<1x256x128xf32, #tpu.memory_space<vmem>>
        %dma_start3A_138 = tpu.memref_squeeze %dma_start3A_137 : memref<1x256x128xf32, #tpu.memory_space<vmem>> -> memref<256x128xf32, #tpu.memory_space<vmem>>
        %dma_start3A_139 = arith.constant 0 : i32
        %dma_start3A_140 = arith.constant 0 : i32
        %dma_start3A_141 = tpu.memref_slice %dma_start3A_138[%dma_start3A_139, %dma_start3A_140] : memref<256x128xf32, #tpu.memory_space<vmem>> -> memref<128x128xf32, #tpu.memory_space<vmem>>
        %dma_start3A_142 = arith.constant 0 : i32
        %dma_start3A_143 = arith.constant 0 : i32
        %dma_start3A_144 = tpu.memref_slice %arg11[%dma_start3A_142, %dma_start3A_143] : memref<513x128xf32, #tpu.memory_space<vmem_shared>> -> memref<513x128xf32, #tpu.memory_space<vmem_shared>>
        tpu.enqueue_indirect_dma source(%dma_start3A_141 : memref<128x128xf32, #tpu.memory_space<vmem>>) target(%dma_start3A_144 : memref<513x128xf32, #tpu.memory_space<vmem_shared>>) offsets(%arg8 : memref<128xi32, #tpu.memory_space<vmem>>) semaphore(%arg17 : memref<!tpu.dma_semaphore, #tpu.memory_space<semaphore_mem>>) {add = true}
        %dma_start3A_145 = arith.constant 1 : i32
        %dma_start3A_146 = arith.constant 0 : i32
        %dma_start3A_147 = arith.constant 0 : i32
        %dma_start3A_148 = tpu.memref_slice %arg10[%dma_start3A_145, %dma_start3A_146, %dma_start3A_147] : memref<2x256x128xf32, #tpu.memory_space<vmem>> -> memref<1x256x128xf32, #tpu.memory_space<vmem>>
        %dma_start3A_149 = tpu.memref_squeeze %dma_start3A_148 : memref<1x256x128xf32, #tpu.memory_space<vmem>> -> memref<256x128xf32, #tpu.memory_space<vmem>>
        %dma_start3A_150 = arith.constant 128 : i32
        %dma_start3A_151 = arith.constant 0 : i32
        %dma_start3A_152 = tpu.memref_slice %dma_start3A_149[%dma_start3A_150, %dma_start3A_151] : memref<256x128xf32, #tpu.memory_space<vmem>> -> memref<128x128xf32, #tpu.memory_space<vmem>>
        %dma_start3A_153 = arith.constant 0 : i32
        %dma_start3A_154 = arith.constant 0 : i32
        %dma_start3A_155 = tpu.memref_slice %arg11[%dma_start3A_153, %dma_start3A_154] : memref<513x128xf32, #tpu.memory_space<vmem_shared>> -> memref<513x128xf32, #tpu.memory_space<vmem_shared>>
        tpu.enqueue_indirect_dma source(%dma_start3A_152 : memref<128x128xf32, #tpu.memory_space<vmem>>) target(%dma_start3A_155 : memref<513x128xf32, #tpu.memory_space<vmem_shared>>) offsets(%arg9 : memref<128xi32, #tpu.memory_space<vmem>>) semaphore(%arg17 : memref<!tpu.dma_semaphore, #tpu.memory_space<semaphore_mem>>) {add = true}
        %add3A_156 = arith.constant 1 : i32
        %add3A_157 = arith.addi %add3A_103, %add3A_156 : i32
        %lt3A_158 = arith.cmpi slt, %add3A_157, %add3A_6 : i32
        %convert_element_type3A_159 = arith.extui %lt3A_158 : i1 to i32
        %cond3A_160 = arith.constant 0 : i32
        %cond3A_161 = arith.cmpi ne, %convert_element_type3A_159, %cond3A_160 : i32
        scf.if %cond3A_161 {
          %ge3A = arith.constant 1 : i32
          %ge3A_162 = arith.cmpi sge, %add3A_103, %ge3A : i32
          %convert_element_type3A_163 = arith.extui %ge3A_162 : i1 to i32
          %cond3A_164 = arith.constant 0 : i32
          %cond3A_165 = arith.cmpi ne, %convert_element_type3A_163, %cond3A_164 : i32
          scf.if %cond3A_165 {
            %dma_wait3A_191 = arith.constant 0 : i32
            %dma_wait3A_192 = arith.constant 0 : i32
            %dma_wait3A_193 = arith.constant 0 : i32
            %dma_wait3A_194 = tpu.memref_slice %arg10[%dma_wait3A_191, %dma_wait3A_192, %dma_wait3A_193] : memref<2x256x128xf32, #tpu.memory_space<vmem>> -> memref<1x256x128xf32, #tpu.memory_space<vmem>>
            %dma_wait3A_195 = tpu.memref_squeeze %dma_wait3A_194 : memref<1x256x128xf32, #tpu.memory_space<vmem>> -> memref<256x128xf32, #tpu.memory_space<vmem>>
            %dma_wait3A_196 = arith.constant 0 : i32
            %dma_wait3A_197 = arith.constant 0 : i32
            %dma_wait3A_198 = tpu.memref_slice %dma_wait3A_195[%dma_wait3A_196, %dma_wait3A_197] : memref<256x128xf32, #tpu.memory_space<vmem>> -> memref<128x128xf32, #tpu.memory_space<vmem>>
            %dma_wait3A_199 = arith.constant 0 : i32
            %dma_wait3A_200 = arith.constant 0 : i32
            %dma_wait3A_201 = tpu.memref_slice %arg11[%dma_wait3A_199, %dma_wait3A_200] : memref<513x128xf32, #tpu.memory_space<vmem_shared>> -> memref<513x128xf32, #tpu.memory_space<vmem_shared>>
            tpu.wait_indirect_dma semaphore(%arg16 : memref<!tpu.dma_semaphore, #tpu.memory_space<semaphore_mem>>) src(%dma_wait3A_198 : memref<128x128xf32, #tpu.memory_space<vmem>>) dst(%dma_wait3A_201 : memref<513x128xf32, #tpu.memory_space<vmem_shared>>)
            %dma_wait3A_202 = arith.constant 0 : i32
            %dma_wait3A_203 = arith.constant 0 : i32
            %dma_wait3A_204 = arith.constant 0 : i32
            %dma_wait3A_205 = tpu.memref_slice %arg10[%dma_wait3A_202, %dma_wait3A_203, %dma_wait3A_204] : memref<2x256x128xf32, #tpu.memory_space<vmem>> -> memref<1x256x128xf32, #tpu.memory_space<vmem>>
            %dma_wait3A_206 = tpu.memref_squeeze %dma_wait3A_205 : memref<1x256x128xf32, #tpu.memory_space<vmem>> -> memref<256x128xf32, #tpu.memory_space<vmem>>
            %dma_wait3A_207 = arith.constant 128 : i32
            %dma_wait3A_208 = arith.constant 0 : i32
            %dma_wait3A_209 = tpu.memref_slice %dma_wait3A_206[%dma_wait3A_207, %dma_wait3A_208] : memref<256x128xf32, #tpu.memory_space<vmem>> -> memref<128x128xf32, #tpu.memory_space<vmem>>
            %dma_wait3A_210 = arith.constant 0 : i32
            %dma_wait3A_211 = arith.constant 0 : i32
            %dma_wait3A_212 = tpu.memref_slice %arg11[%dma_wait3A_210, %dma_wait3A_211] : memref<513x128xf32, #tpu.memory_space<vmem_shared>> -> memref<513x128xf32, #tpu.memory_space<vmem_shared>>
            tpu.wait_indirect_dma semaphore(%arg16 : memref<!tpu.dma_semaphore, #tpu.memory_space<semaphore_mem>>) src(%dma_wait3A_209 : memref<128x128xf32, #tpu.memory_space<vmem>>) dst(%dma_wait3A_212 : memref<513x128xf32, #tpu.memory_space<vmem_shared>>)
          } else {
          }
          %add3A_166 = arith.constant 32 : i32
          %add3A_167 = arith.addi %add3A_106, %add3A_166 : i32
          %mul3A_168 = arith.constant 256 : i32
          %mul3A_169 = arith.muli %add3A_167, %mul3A_168 : i32
          %add3A_170 = arith.constant 0 : i32
          %add3A_171 = arith.addi %mul3A_169, %add3A_170 : i32
          %dma_start3A_172 = tpu.memref_slice %arg3[%add3A_171] : memref<100000xi32, #tpu.memory_space<hbm>> -> memref<128xi32, #tpu.memory_space<hbm>>
          %dma_start3A_173 = tpu.memref_slice %arg3[%add3A_171] : memref<100000xi32, #tpu.memory_space<hbm>> -> memref<128xi32, #tpu.memory_space<hbm>>
          tpu.enqueue_dma source(%dma_start3A_173 : memref<128xi32, #tpu.memory_space<hbm>>) target(%arg6 : memref<128xi32, #tpu.memory_space<vmem>>) target_semaphore(%arg12 : memref<!tpu.dma_semaphore, #tpu.memory_space<semaphore_mem>>)
          %add3A_174 = arith.constant 128 : i32
          %add3A_175 = arith.addi %mul3A_169, %add3A_174 : i32
          %dma_start3A_176 = tpu.memref_slice %arg3[%add3A_175] : memref<100000xi32, #tpu.memory_space<hbm>> -> memref<128xi32, #tpu.memory_space<hbm>>
          %dma_start3A_177 = tpu.memref_slice %arg3[%add3A_175] : memref<100000xi32, #tpu.memory_space<hbm>> -> memref<128xi32, #tpu.memory_space<hbm>>
          tpu.enqueue_dma source(%dma_start3A_177 : memref<128xi32, #tpu.memory_space<hbm>>) target(%arg7 : memref<128xi32, #tpu.memory_space<vmem>>) target_semaphore(%arg12 : memref<!tpu.dma_semaphore, #tpu.memory_space<semaphore_mem>>)
          %dma_start3A_178 = arith.constant 0 : i32
          %dma_start3A_179 = arith.constant 0 : i32
          %dma_start3A_180 = arith.constant 0 : i32
          %dma_start3A_181 = tpu.memref_slice %arg10[%dma_start3A_178, %dma_start3A_179, %dma_start3A_180] : memref<2x256x128xf32, #tpu.memory_space<vmem>> -> memref<1x256x128xf32, #tpu.memory_space<vmem>>
          %dma_start3A_182 = tpu.memref_squeeze %dma_start3A_181 : memref<1x256x128xf32, #tpu.memory_space<vmem>> -> memref<256x128xf32, #tpu.memory_space<vmem>>
          %dma_start3A_183 = arith.constant 0 : i32
          %dma_start3A_184 = tpu.memref_slice %arg2[%mul3A_169, %dma_start3A_183] : memref<100000x128xf32, #tpu.memory_space<hbm>> -> memref<256x128xf32, #tpu.memory_space<hbm>>
          %dma_start3A_185 = arith.constant 0 : i32
          %dma_start3A_186 = arith.constant 0 : i32
          %dma_start3A_187 = tpu.memref_slice %arg10[%dma_start3A_178, %dma_start3A_185, %dma_start3A_186] : memref<2x256x128xf32, #tpu.memory_space<vmem>> -> memref<1x256x128xf32, #tpu.memory_space<vmem>>
          %dma_start3A_188 = tpu.memref_squeeze %dma_start3A_187 : memref<1x256x128xf32, #tpu.memory_space<vmem>> -> memref<256x128xf32, #tpu.memory_space<vmem>>
          %dma_start3A_189 = arith.constant 0 : i32
          %dma_start3A_190 = tpu.memref_slice %arg2[%mul3A_169, %dma_start3A_189] : memref<100000x128xf32, #tpu.memory_space<hbm>> -> memref<256x128xf32, #tpu.memory_space<hbm>>
          tpu.enqueue_dma source(%dma_start3A_190 : memref<256x128xf32, #tpu.memory_space<hbm>>) target(%dma_start3A_188 : memref<256x128xf32, #tpu.memory_space<vmem>>) target_semaphore(%arg14 : memref<!tpu.dma_semaphore, #tpu.memory_space<semaphore_mem>>)
        } else {
        }
      } else {
      }
    }
    %scan3A_33 = arith.constant 7 : i32
    %dma_wait3A = arith.constant 0 : i32
    %dma_wait3A_34 = arith.constant 0 : i32
    %dma_wait3A_35 = arith.constant 0 : i32
    %dma_wait3A_36 = tpu.memref_slice %arg10[%dma_wait3A, %dma_wait3A_34, %dma_wait3A_35] : memref<2x256x128xf32, #tpu.memory_space<vmem>> -> memref<1x256x128xf32, #tpu.memory_space<vmem>>
    %dma_wait3A_37 = tpu.memref_squeeze %dma_wait3A_36 : memref<1x256x128xf32, #tpu.memory_space<vmem>> -> memref<256x128xf32, #tpu.memory_space<vmem>>
    %dma_wait3A_38 = arith.constant 0 : i32
    %dma_wait3A_39 = arith.constant 0 : i32
    %dma_wait3A_40 = tpu.memref_slice %dma_wait3A_37[%dma_wait3A_38, %dma_wait3A_39] : memref<256x128xf32, #tpu.memory_space<vmem>> -> memref<128x128xf32, #tpu.memory_space<vmem>>
    %dma_wait3A_41 = arith.constant 0 : i32
    %dma_wait3A_42 = arith.constant 0 : i32
    %dma_wait3A_43 = tpu.memref_slice %arg11[%dma_wait3A_41, %dma_wait3A_42] : memref<513x128xf32, #tpu.memory_space<vmem_shared>> -> memref<513x128xf32, #tpu.memory_space<vmem_shared>>
    tpu.wait_indirect_dma semaphore(%arg16 : memref<!tpu.dma_semaphore, #tpu.memory_space<semaphore_mem>>) src(%dma_wait3A_40 : memref<128x128xf32, #tpu.memory_space<vmem>>) dst(%dma_wait3A_43 : memref<513x128xf32, #tpu.memory_space<vmem_shared>>)
    %dma_wait3A_44 = arith.constant 0 : i32
    %dma_wait3A_45 = arith.constant 0 : i32
    %dma_wait3A_46 = arith.constant 0 : i32
    %dma_wait3A_47 = tpu.memref_slice %arg10[%dma_wait3A_44, %dma_wait3A_45, %dma_wait3A_46] : memref<2x256x128xf32, #tpu.memory_space<vmem>> -> memref<1x256x128xf32, #tpu.memory_space<vmem>>
    %dma_wait3A_48 = tpu.memref_squeeze %dma_wait3A_47 : memref<1x256x128xf32, #tpu.memory_space<vmem>> -> memref<256x128xf32, #tpu.memory_space<vmem>>
    %dma_wait3A_49 = arith.constant 128 : i32
    %dma_wait3A_50 = arith.constant 0 : i32
    %dma_wait3A_51 = tpu.memref_slice %dma_wait3A_48[%dma_wait3A_49, %dma_wait3A_50] : memref<256x128xf32, #tpu.memory_space<vmem>> -> memref<128x128xf32, #tpu.memory_space<vmem>>
    %dma_wait3A_52 = arith.constant 0 : i32
    %dma_wait3A_53 = arith.constant 0 : i32
    %dma_wait3A_54 = tpu.memref_slice %arg11[%dma_wait3A_52, %dma_wait3A_53] : memref<513x128xf32, #tpu.memory_space<vmem_shared>> -> memref<513x128xf32, #tpu.memory_space<vmem_shared>>
    tpu.wait_indirect_dma semaphore(%arg16 : memref<!tpu.dma_semaphore, #tpu.memory_space<semaphore_mem>>) src(%dma_wait3A_51 : memref<128x128xf32, #tpu.memory_space<vmem>>) dst(%dma_wait3A_54 : memref<513x128xf32, #tpu.memory_space<vmem_shared>>)
    %dma_wait3A_55 = arith.constant 1 : i32
    %dma_wait3A_56 = arith.constant 0 : i32
    %dma_wait3A_57 = arith.constant 0 : i32
    %dma_wait3A_58 = tpu.memref_slice %arg10[%dma_wait3A_55, %dma_wait3A_56, %dma_wait3A_57] : memref<2x256x128xf32, #tpu.memory_space<vmem>> -> memref<1x256x128xf32, #tpu.memory_space<vmem>>
    %dma_wait3A_59 = tpu.memref_squeeze %dma_wait3A_58 : memref<1x256x128xf32, #tpu.memory_space<vmem>> -> memref<256x128xf32, #tpu.memory_space<vmem>>
    %dma_wait3A_60 = arith.constant 0 : i32
    %dma_wait3A_61 = arith.constant 0 : i32
    %dma_wait3A_62 = tpu.memref_slice %dma_wait3A_59[%dma_wait3A_60, %dma_wait3A_61] : memref<256x128xf32, #tpu.memory_space<vmem>> -> memref<128x128xf32, #tpu.memory_space<vmem>>
    %dma_wait3A_63 = arith.constant 0 : i32
    %dma_wait3A_64 = arith.constant 0 : i32
    %dma_wait3A_65 = tpu.memref_slice %arg11[%dma_wait3A_63, %dma_wait3A_64] : memref<513x128xf32, #tpu.memory_space<vmem_shared>> -> memref<513x128xf32, #tpu.memory_space<vmem_shared>>
    tpu.wait_indirect_dma semaphore(%arg17 : memref<!tpu.dma_semaphore, #tpu.memory_space<semaphore_mem>>) src(%dma_wait3A_62 : memref<128x128xf32, #tpu.memory_space<vmem>>) dst(%dma_wait3A_65 : memref<513x128xf32, #tpu.memory_space<vmem_shared>>)
    %dma_wait3A_66 = arith.constant 1 : i32
    %dma_wait3A_67 = arith.constant 0 : i32
    %dma_wait3A_68 = arith.constant 0 : i32
    %dma_wait3A_69 = tpu.memref_slice %arg10[%dma_wait3A_66, %dma_wait3A_67, %dma_wait3A_68] : memref<2x256x128xf32, #tpu.memory_space<vmem>> -> memref<1x256x128xf32, #tpu.memory_space<vmem>>
    %dma_wait3A_70 = tpu.memref_squeeze %dma_wait3A_69 : memref<1x256x128xf32, #tpu.memory_space<vmem>> -> memref<256x128xf32, #tpu.memory_space<vmem>>
    %dma_wait3A_71 = arith.constant 128 : i32
    %dma_wait3A_72 = arith.constant 0 : i32
    %dma_wait3A_73 = tpu.memref_slice %dma_wait3A_70[%dma_wait3A_71, %dma_wait3A_72] : memref<256x128xf32, #tpu.memory_space<vmem>> -> memref<128x128xf32, #tpu.memory_space<vmem>>
    %dma_wait3A_74 = arith.constant 0 : i32
    %dma_wait3A_75 = arith.constant 0 : i32
    %dma_wait3A_76 = tpu.memref_slice %arg11[%dma_wait3A_74, %dma_wait3A_75] : memref<513x128xf32, #tpu.memory_space<vmem_shared>> -> memref<513x128xf32, #tpu.memory_space<vmem_shared>>
    tpu.wait_indirect_dma semaphore(%arg17 : memref<!tpu.dma_semaphore, #tpu.memory_space<semaphore_mem>>) src(%dma_wait3A_73 : memref<128x128xf32, #tpu.memory_space<vmem>>) dst(%dma_wait3A_76 : memref<513x128xf32, #tpu.memory_space<vmem_shared>>)
    %eq3A_77 = arith.constant 7 : i32
    %eq3A_78 = arith.cmpi eq, %add3A, %eq3A_77 : i32
    %convert_element_type3A_79 = arith.extui %eq3A_78 : i1 to i32
    %cond3A_80 = arith.constant 0 : i32
    %cond3A_81 = arith.cmpi ne, %convert_element_type3A_79, %cond3A_80 : i32
    scf.if %cond3A_81 {
      "tpu.region"() ({
        %run_scoped3A_166 = tpu.sem_alloc : memref<!tpu.dma_semaphore, #tpu.memory_space<semaphore_mem>>
        %dma_start3A_167 = arith.constant 99840 : i32
        %dma_start3A_168 = tpu.memref_slice %arg3[%dma_start3A_167] : memref<100000xi32, #tpu.memory_space<hbm>> -> memref<128xi32, #tpu.memory_space<hbm>>
        %dma_start3A_169 = arith.constant 99840 : i32
        %dma_start3A_170 = tpu.memref_slice %arg3[%dma_start3A_169] : memref<100000xi32, #tpu.memory_space<hbm>> -> memref<128xi32, #tpu.memory_space<hbm>>
        tpu.enqueue_dma source(%dma_start3A_170 : memref<128xi32, #tpu.memory_space<hbm>>) target(%arg6 : memref<128xi32, #tpu.memory_space<vmem>>) target_semaphore(%run_scoped3A_166 : memref<!tpu.dma_semaphore, #tpu.memory_space<semaphore_mem>>)
        %dma_wait3A_171 = arith.constant 99840 : i32
        %dma_wait3A_172 = tpu.memref_slice %arg3[%dma_wait3A_171] : memref<100000xi32, #tpu.memory_space<hbm>> -> memref<128xi32, #tpu.memory_space<hbm>>
        %dma_wait3A_173 = arith.constant 99840 : i32
        %dma_wait3A_174 = tpu.memref_slice %arg3[%dma_wait3A_173] : memref<100000xi32, #tpu.memory_space<hbm>> -> memref<128xi32, #tpu.memory_space<hbm>>
        tpu.wait_dma2 semaphore(%run_scoped3A_166 : memref<!tpu.dma_semaphore, #tpu.memory_space<semaphore_mem>>) src(%dma_wait3A_174 : memref<128xi32, #tpu.memory_space<hbm>>) dst(%arg6 : memref<128xi32, #tpu.memory_space<vmem>>)
        tpu.yield
      }) : () -> ()
      "tpu.region"() ({
        %run_scoped3A_166 = tpu.sem_alloc : memref<!tpu.dma_semaphore, #tpu.memory_space<semaphore_mem>>
        %dma_start3A_167 = arith.constant 0 : i32
        %dma_start3A_168 = tpu.memref_slice %arg7[%dma_start3A_167] : memref<128xi32, #tpu.memory_space<vmem>> -> memref<32xi32, #tpu.memory_space<vmem>>
        %dma_start3A_169 = arith.constant 99968 : i32
        %dma_start3A_170 = tpu.memref_slice %arg3[%dma_start3A_169] : memref<100000xi32, #tpu.memory_space<hbm>> -> memref<32xi32, #tpu.memory_space<hbm>>
        %dma_start3A_171 = arith.constant 0 : i32
        %dma_start3A_172 = tpu.memref_slice %arg7[%dma_start3A_171] : memref<128xi32, #tpu.memory_space<vmem>> -> memref<32xi32, #tpu.memory_space<vmem>>
        %dma_start3A_173 = arith.constant 99968 : i32
        %dma_start3A_174 = tpu.memref_slice %arg3[%dma_start3A_173] : memref<100000xi32, #tpu.memory_space<hbm>> -> memref<32xi32, #tpu.memory_space<hbm>>
        tpu.enqueue_dma source(%dma_start3A_174 : memref<32xi32, #tpu.memory_space<hbm>>) target(%dma_start3A_172 : memref<32xi32, #tpu.memory_space<vmem>>) target_semaphore(%run_scoped3A_166 : memref<!tpu.dma_semaphore, #tpu.memory_space<semaphore_mem>>)
        %dma_wait3A_175 = arith.constant 0 : i32
        %dma_wait3A_176 = tpu.memref_slice %arg7[%dma_wait3A_175] : memref<128xi32, #tpu.memory_space<vmem>> -> memref<32xi32, #tpu.memory_space<vmem>>
        %dma_wait3A_177 = arith.constant 99968 : i32
        %dma_wait3A_178 = tpu.memref_slice %arg3[%dma_wait3A_177] : memref<100000xi32, #tpu.memory_space<hbm>> -> memref<32xi32, #tpu.memory_space<hbm>>
        %dma_wait3A_179 = arith.constant 0 : i32
        %dma_wait3A_180 = tpu.memref_slice %arg7[%dma_wait3A_179] : memref<128xi32, #tpu.memory_space<vmem>> -> memref<32xi32, #tpu.memory_space<vmem>>
        %dma_wait3A_181 = arith.constant 99968 : i32
        %dma_wait3A_182 = tpu.memref_slice %arg3[%dma_wait3A_181] : memref<100000xi32, #tpu.memory_space<hbm>> -> memref<32xi32, #tpu.memory_space<hbm>>
        tpu.wait_dma2 semaphore(%run_scoped3A_166 : memref<!tpu.dma_semaphore, #tpu.memory_space<semaphore_mem>>) src(%dma_wait3A_182 : memref<32xi32, #tpu.memory_space<hbm>>) dst(%dma_wait3A_180 : memref<32xi32, #tpu.memory_space<vmem>>)
        tpu.yield
      }) : () -> ()
      %broadcast_in_dim3A = arith.constant 512 : i32
      %broadcast_in_dim3A_88 = vector.broadcast %broadcast_in_dim3A : i32 to vector<16xi32>
      %swap3A = arith.constant 32 : index
      %swap3A_89 = tpu.vector_load %arg7[%swap3A] {strides = array<i32>} : memref<128xi32, #tpu.memory_space<vmem>>, vector<16xi32>,
      %swap3A_90 = vector.shape_cast %swap3A_89 : vector<16xi32> to vector<16xi32>
      %swap3A_91 = vector.shape_cast %broadcast_in_dim3A_88 : vector<16xi32> to vector<16xi32>
      tpu.vector_store %arg7[%swap3A], %swap3A_91 {strides = array<i32>} : memref<128xi32, #tpu.memory_space<vmem>>, vector<16xi32>,
      %broadcast_in_dim3A_92 = arith.constant 512 : i32
      %broadcast_in_dim3A_93 = vector.broadcast %broadcast_in_dim3A_92 : i32 to vector<16xi32>
      %swap3A_94 = arith.constant 48 : index
      %swap3A_95 = tpu.vector_load %arg7[%swap3A_94] {strides = array<i32>} : memref<128xi32, #tpu.memory_space<vmem>>, vector<16xi32>,
      %swap3A_96 = vector.shape_cast %swap3A_95 : vector<16xi32> to vector<16xi32>
      %swap3A_97 = vector.shape_cast %broadcast_in_dim3A_93 : vector<16xi32> to vector<16xi32>
      tpu.vector_store %arg7[%swap3A_94], %swap3A_97 {strides = array<i32>} : memref<128xi32, #tpu.memory_space<vmem>>, vector<16xi32>,
      %broadcast_in_dim3A_98 = arith.constant 512 : i32
      %broadcast_in_dim3A_99 = vector.broadcast %broadcast_in_dim3A_98 : i32 to vector<16xi32>
      %swap3A_100 = arith.constant 64 : index
      %swap3A_101 = tpu.vector_load %arg7[%swap3A_100] {strides = array<i32>} : memref<128xi32, #tpu.memory_space<vmem>>, vector<16xi32>,
      %swap3A_102 = vector.shape_cast %swap3A_101 : vector<16xi32> to vector<16xi32>
      %swap3A_103 = vector.shape_cast %broadcast_in_dim3A_99 : vector<16xi32> to vector<16xi32>
      tpu.vector_store %arg7[%swap3A_100], %swap3A_103 {strides = array<i32>} : memref<128xi32, #tpu.memory_space<vmem>>, vector<16xi32>,
      %broadcast_in_dim3A_104 = arith.constant 512 : i32
      %broadcast_in_dim3A_105 = vector.broadcast %broadcast_in_dim3A_104 : i32 to vector<16xi32>
      %swap3A_106 = arith.constant 80 : index
      %swap3A_107 = tpu.vector_load %arg7[%swap3A_106] {strides = array<i32>} : memref<128xi32, #tpu.memory_space<vmem>>, vector<16xi32>,
      %swap3A_108 = vector.shape_cast %swap3A_107 : vector<16xi32> to vector<16xi32>
      %swap3A_109 = vector.shape_cast %broadcast_in_dim3A_105 : vector<16xi32> to vector<16xi32>
      tpu.vector_store %arg7[%swap3A_106], %swap3A_109 {strides = array<i32>} : memref<128xi32, #tpu.memory_space<vmem>>, vector<16xi32>,
      %broadcast_in_dim3A_110 = arith.constant 512 : i32
      %broadcast_in_dim3A_111 = vector.broadcast %broadcast_in_dim3A_110 : i32 to vector<16xi32>
      %swap3A_112 = arith.constant 96 : index
      %swap3A_113 = tpu.vector_load %arg7[%swap3A_112] {strides = array<i32>} : memref<128xi32, #tpu.memory_space<vmem>>, vector<16xi32>,
      %swap3A_114 = vector.shape_cast %swap3A_113 : vector<16xi32> to vector<16xi32>
      %swap3A_115 = vector.shape_cast %broadcast_in_dim3A_111 : vector<16xi32> to vector<16xi32>
      tpu.vector_store %arg7[%swap3A_112], %swap3A_115 {strides = array<i32>} : memref<128xi32, #tpu.memory_space<vmem>>, vector<16xi32>,
      %broadcast_in_dim3A_116 = arith.constant 512 : i32
      %broadcast_in_dim3A_117 = vector.broadcast %broadcast_in_dim3A_116 : i32 to vector<16xi32>
      %swap3A_118 = arith.constant 112 : index
      %swap3A_119 = tpu.vector_load %arg7[%swap3A_118] {strides = array<i32>} : memref<128xi32, #tpu.memory_space<vmem>>, vector<16xi32>,
      %swap3A_120 = vector.shape_cast %swap3A_119 : vector<16xi32> to vector<16xi32>
      %swap3A_121 = vector.shape_cast %broadcast_in_dim3A_117 : vector<16xi32> to vector<16xi32>
      tpu.vector_store %arg7[%swap3A_118], %swap3A_121 {strides = array<i32>} : memref<128xi32, #tpu.memory_space<vmem>>, vector<16xi32>,
      %run_scoped3A = arith.constant 0 : i32
      "tpu.region"() ({
        %run_scoped3A_166 = tpu.sem_alloc : memref<!tpu.dma_semaphore, #tpu.memory_space<semaphore_mem>>
        %dma_start3A_167 = arith.constant 0 : i32
        %dma_start3A_168 = arith.constant 0 : i32
        %dma_start3A_169 = tpu.memref_slice %arg10[%run_scoped3A, %dma_start3A_167, %dma_start3A_168] : memref<2x256x128xf32, #tpu.memory_space<vmem>> -> memref<1x256x128xf32, #tpu.memory_space<vmem>>
        %dma_start3A_170 = tpu.memref_squeeze %dma_start3A_169 : memref<1x256x128xf32, #tpu.memory_space<vmem>> -> memref<256x128xf32, #tpu.memory_space<vmem>>
        %dma_start3A_171 = arith.constant 0 : i32
        %dma_start3A_172 = arith.constant 0 : i32
        %dma_start3A_173 = tpu.memref_slice %dma_start3A_170[%dma_start3A_171, %dma_start3A_172] : memref<256x128xf32, #tpu.memory_space<vmem>> -> memref<160x128xf32, #tpu.memory_space<vmem>>
        %dma_start3A_174 = arith.constant 99840 : i32
        %dma_start3A_175 = arith.constant 0 : i32
        %dma_start3A_176 = tpu.memref_slice %arg2[%dma_start3A_174, %dma_start3A_175] : memref<100000x128xf32, #tpu.memory_space<hbm>> -> memref<160x128xf32, #tpu.memory_space<hbm>>
        %dma_start3A_177 = arith.constant 0 : i32
        %dma_start3A_178 = arith.constant 0 : i32
        %dma_start3A_179 = tpu.memref_slice %arg10[%run_scoped3A, %dma_start3A_177, %dma_start3A_178] : memref<2x256x128xf32, #tpu.memory_space<vmem>> -> memref<1x256x128xf32, #tpu.memory_space<vmem>>
        %dma_start3A_180 = tpu.memref_squeeze %dma_start3A_179 : memref<1x256x128xf32, #tpu.memory_space<vmem>> -> memref<256x128xf32, #tpu.memory_space<vmem>>
        %dma_start3A_181 = arith.constant 0 : i32
        %dma_start3A_182 = arith.constant 0 : i32
        %dma_start3A_183 = tpu.memref_slice %dma_start3A_180[%dma_start3A_181, %dma_start3A_182] : memref<256x128xf32, #tpu.memory_space<vmem>> -> memref<160x128xf32, #tpu.memory_space<vmem>>
        %dma_start3A_184 = arith.constant 99840 : i32
        %dma_start3A_185 = arith.constant 0 : i32
        %dma_start3A_186 = tpu.memref_slice %arg2[%dma_start3A_184, %dma_start3A_185] : memref<100000x128xf32, #tpu.memory_space<hbm>> -> memref<160x128xf32, #tpu.memory_space<hbm>>
        tpu.enqueue_dma source(%dma_start3A_186 : memref<160x128xf32, #tpu.memory_space<hbm>>) target(%dma_start3A_183 : memref<160x128xf32, #tpu.memory_space<vmem>>) target_semaphore(%run_scoped3A_166 : memref<!tpu.dma_semaphore, #tpu.memory_space<semaphore_mem>>)
        %dma_wait3A_187 = arith.constant 0 : i32
        %dma_wait3A_188 = arith.constant 0 : i32
        %dma_wait3A_189 = tpu.memref_slice %arg10[%run_scoped3A, %dma_wait3A_187, %dma_wait3A_188] : memref<2x256x128xf32, #tpu.memory_space<vmem>> -> memref<1x256x128xf32, #tpu.memory_space<vmem>>
        %dma_wait3A_190 = tpu.memref_squeeze %dma_wait3A_189 : memref<1x256x128xf32, #tpu.memory_space<vmem>> -> memref<256x128xf32, #tpu.memory_space<vmem>>
        %dma_wait3A_191 = arith.constant 0 : i32
        %dma_wait3A_192 = arith.constant 0 : i32
        %dma_wait3A_193 = tpu.memref_slice %dma_wait3A_190[%dma_wait3A_191, %dma_wait3A_192] : memref<256x128xf32, #tpu.memory_space<vmem>> -> memref<160x128xf32, #tpu.memory_space<vmem>>
        %dma_wait3A_194 = arith.constant 99840 : i32
        %dma_wait3A_195 = arith.constant 0 : i32
        %dma_wait3A_196 = tpu.memref_slice %arg2[%dma_wait3A_194, %dma_wait3A_195] : memref<100000x128xf32, #tpu.memory_space<hbm>> -> memref<160x128xf32, #tpu.memory_space<hbm>>
        %dma_wait3A_197 = arith.constant 0 : i32
        %dma_wait3A_198 = arith.constant 0 : i32
        %dma_wait3A_199 = tpu.memref_slice %arg10[%run_scoped3A, %dma_wait3A_197, %dma_wait3A_198] : memref<2x256x128xf32, #tpu.memory_space<vmem>> -> memref<1x256x128xf32, #tpu.memory_space<vmem>>
        %dma_wait3A_200 = tpu.memref_squeeze %dma_wait3A_199 : memref<1x256x128xf32, #tpu.memory_space<vmem>> -> memref<256x128xf32, #tpu.memory_space<vmem>>
        %dma_wait3A_201 = arith.constant 0 : i32
        %dma_wait3A_202 = arith.constant 0 : i32
        %dma_wait3A_203 = tpu.memref_slice %dma_wait3A_200[%dma_wait3A_201, %dma_wait3A_202] : memref<256x128xf32, #tpu.memory_space<vmem>> -> memref<160x128xf32, #tpu.memory_space<vmem>>
        %dma_wait3A_204 = arith.constant 99840 : i32
        %dma_wait3A_205 = arith.constant 0 : i32
        %dma_wait3A_206 = tpu.memref_slice %arg2[%dma_wait3A_204, %dma_wait3A_205] : memref<100000x128xf32, #tpu.memory_space<hbm>> -> memref<160x128xf32, #tpu.memory_space<hbm>>
        tpu.wait_dma2 semaphore(%run_scoped3A_166 : memref<!tpu.dma_semaphore, #tpu.memory_space<semaphore_mem>>) src(%dma_wait3A_206 : memref<160x128xf32, #tpu.memory_space<hbm>>) dst(%dma_wait3A_203 : memref<160x128xf32, #tpu.memory_space<vmem>>)
        tpu.yield
      }) : () -> ()
      %dma_start3A_122 = arith.constant 0 : i32
      %dma_start3A_123 = arith.constant 0 : i32
      %dma_start3A_124 = arith.constant 0 : i32
      %dma_start3A_125 = tpu.memref_slice %arg10[%dma_start3A_122, %dma_start3A_123, %dma_start3A_124] : memref<2x256x128xf32, #tpu.memory_space<vmem>> -> memref<1x256x128xf32, #tpu.memory_space<vmem>>
      %dma_start3A_126 = tpu.memref_squeeze %dma_start3A_125 : memref<1x256x128xf32, #tpu.memory_space<vmem>> -> memref<256x128xf32, #tpu.memory_space<vmem>>
      %dma_start3A_127 = arith.constant 0 : i32
      %dma_start3A_128 = arith.constant 0 : i32
      %dma_start3A_129 = tpu.memref_slice %dma_start3A_126[%dma_start3A_127, %dma_start3A_128] : memref<256x128xf32, #tpu.memory_space<vmem>> -> memref<128x128xf32, #tpu.memory_space<vmem>>
      %dma_start3A_130 = arith.constant 0 : i32
      %dma_start3A_131 = arith.constant 0 : i32
      %dma_start3A_132 = tpu.memref_slice %arg11[%dma_start3A_130, %dma_start3A_131] : memref<513x128xf32, #tpu.memory_space<vmem_shared>> -> memref<513x128xf32, #tpu.memory_space<vmem_shared>>
      tpu.enqueue_indirect_dma source(%dma_start3A_129 : memref<128x128xf32, #tpu.memory_space<vmem>>) target(%dma_start3A_132 : memref<513x128xf32, #tpu.memory_space<vmem_shared>>) offsets(%arg6 : memref<128xi32, #tpu.memory_space<vmem>>) semaphore(%arg16 : memref<!tpu.dma_semaphore, #tpu.memory_space<semaphore_mem>>) {add = true}
      %dma_start3A_133 = arith.constant 0 : i32
      %dma_start3A_134 = arith.constant 0 : i32
      %dma_start3A_135 = arith.constant 0 : i32
      %dma_start3A_136 = tpu.memref_slice %arg10[%dma_start3A_133, %dma_start3A_134, %dma_start3A_135] : memref<2x256x128xf32, #tpu.memory_space<vmem>> -> memref<1x256x128xf32, #tpu.memory_space<vmem>>
      %dma_start3A_137 = tpu.memref_squeeze %dma_start3A_136 : memref<1x256x128xf32, #tpu.memory_space<vmem>> -> memref<256x128xf32, #tpu.memory_space<vmem>>
      %dma_start3A_138 = arith.constant 128 : i32
      %dma_start3A_139 = arith.constant 0 : i32
      %dma_start3A_140 = tpu.memref_slice %dma_start3A_137[%dma_start3A_138, %dma_start3A_139] : memref<256x128xf32, #tpu.memory_space<vmem>> -> memref<128x128xf32, #tpu.memory_space<vmem>>
      %dma_start3A_141 = arith.constant 0 : i32
      %dma_start3A_142 = arith.constant 0 : i32
      %dma_start3A_143 = tpu.memref_slice %arg11[%dma_start3A_141, %dma_start3A_142] : memref<513x128xf32, #tpu.memory_space<vmem_shared>> -> memref<513x128xf32, #tpu.memory_space<vmem_shared>>
      tpu.enqueue_indirect_dma source(%dma_start3A_140 : memref<128x128xf32, #tpu.memory_space<vmem>>) target(%dma_start3A_143 : memref<513x128xf32, #tpu.memory_space<vmem_shared>>) offsets(%arg7 : memref<128xi32, #tpu.memory_space<vmem>>) semaphore(%arg16 : memref<!tpu.dma_semaphore, #tpu.memory_space<semaphore_mem>>) {add = true}
      %dma_wait3A_144 = arith.constant 0 : i32
      %dma_wait3A_145 = arith.constant 0 : i32
      %dma_wait3A_146 = arith.constant 0 : i32
      %dma_wait3A_147 = tpu.memref_slice %arg10[%dma_wait3A_144, %dma_wait3A_145, %dma_wait3A_146] : memref<2x256x128xf32, #tpu.memory_space<vmem>> -> memref<1x256x128xf32, #tpu.memory_space<vmem>>
      %dma_wait3A_148 = tpu.memref_squeeze %dma_wait3A_147 : memref<1x256x128xf32, #tpu.memory_space<vmem>> -> memref<256x128xf32, #tpu.memory_space<vmem>>
      %dma_wait3A_149 = arith.constant 0 : i32
      %dma_wait3A_150 = arith.constant 0 : i32
      %dma_wait3A_151 = tpu.memref_slice %dma_wait3A_148[%dma_wait3A_149, %dma_wait3A_150] : memref<256x128xf32, #tpu.memory_space<vmem>> -> memref<128x128xf32, #tpu.memory_space<vmem>>
      %dma_wait3A_152 = arith.constant 0 : i32
      %dma_wait3A_153 = arith.constant 0 : i32
      %dma_wait3A_154 = tpu.memref_slice %arg11[%dma_wait3A_152, %dma_wait3A_153] : memref<513x128xf32, #tpu.memory_space<vmem_shared>> -> memref<513x128xf32, #tpu.memory_space<vmem_shared>>
      tpu.wait_indirect_dma semaphore(%arg16 : memref<!tpu.dma_semaphore, #tpu.memory_space<semaphore_mem>>) src(%dma_wait3A_151 : memref<128x128xf32, #tpu.memory_space<vmem>>) dst(%dma_wait3A_154 : memref<513x128xf32, #tpu.memory_space<vmem_shared>>)
      %dma_wait3A_155 = arith.constant 0 : i32
      %dma_wait3A_156 = arith.constant 0 : i32
      %dma_wait3A_157 = arith.constant 0 : i32
      %dma_wait3A_158 = tpu.memref_slice %arg10[%dma_wait3A_155, %dma_wait3A_156, %dma_wait3A_157] : memref<2x256x128xf32, #tpu.memory_space<vmem>> -> memref<1x256x128xf32, #tpu.memory_space<vmem>>
      %dma_wait3A_159 = tpu.memref_squeeze %dma_wait3A_158 : memref<1x256x128xf32, #tpu.memory_space<vmem>> -> memref<256x128xf32, #tpu.memory_space<vmem>>
      %dma_wait3A_160 = arith.constant 128 : i32
      %dma_wait3A_161 = arith.constant 0 : i32
      %dma_wait3A_162 = tpu.memref_slice %dma_wait3A_159[%dma_wait3A_160, %dma_wait3A_161] : memref<256x128xf32, #tpu.memory_space<vmem>> -> memref<128x128xf32, #tpu.memory_space<vmem>>
      %dma_wait3A_163 = arith.constant 0 : i32
      %dma_wait3A_164 = arith.constant 0 : i32
      %dma_wait3A_165 = tpu.memref_slice %arg11[%dma_wait3A_163, %dma_wait3A_164] : memref<513x128xf32, #tpu.memory_space<vmem_shared>> -> memref<513x128xf32, #tpu.memory_space<vmem_shared>>
      tpu.wait_indirect_dma semaphore(%arg16 : memref<!tpu.dma_semaphore, #tpu.memory_space<semaphore_mem>>) src(%dma_wait3A_162 : memref<128x128xf32, #tpu.memory_space<vmem>>) dst(%dma_wait3A_165 : memref<513x128xf32, #tpu.memory_space<vmem_shared>>)
    } else {
    }
    %barrier3A_82 = arith.constant 0 : index
    tpu.barrier barrier_id(%barrier3A_82)
    %eq3A_83 = arith.constant 0 : i32
    %eq3A_84 = arith.cmpi eq, %arg1, %eq3A_83 : i32
    %convert_element_type3A_85 = arith.extui %eq3A_84 : i1 to i32
    %cond3A_86 = arith.constant 0 : i32
    %cond3A_87 = arith.cmpi ne, %convert_element_type3A_85, %cond3A_86 : i32
    scf.if %cond3A_87 {
      "tpu.region"() ({
        %run_scoped3A = tpu.sem_alloc : memref<!tpu.dma_semaphore, #tpu.memory_space<semaphore_mem>>
        %dma_start3A_88 = arith.constant 0 : i32
        %dma_start3A_89 = arith.constant 0 : i32
        %dma_start3A_90 = tpu.memref_slice %arg5[%arg0, %dma_start3A_88, %dma_start3A_89] : memref<2x512x128xf32, #tpu.memory_space<hbm>> -> memref<1x512x128xf32, #tpu.memory_space<hbm>>
        %dma_start3A_91 = tpu.memref_squeeze %dma_start3A_90 : memref<1x512x128xf32, #tpu.memory_space<hbm>> -> memref<512x128xf32, #tpu.memory_space<hbm>>
        %dma_start3A_92 = arith.constant 0 : i32
        %dma_start3A_93 = arith.constant 0 : i32
        %dma_start3A_94 = tpu.memref_slice %arg11[%dma_start3A_92, %dma_start3A_93] : memref<513x128xf32, #tpu.memory_space<vmem_shared>> -> memref<512x128xf32, #tpu.memory_space<vmem_shared>>
        tpu.enqueue_dma source(%dma_start3A_94 : memref<512x128xf32, #tpu.memory_space<vmem_shared>>) target(%dma_start3A_91 : memref<512x128xf32, #tpu.memory_space<hbm>>) target_semaphore(%run_scoped3A : memref<!tpu.dma_semaphore, #tpu.memory_space<semaphore_mem>>)
        %dma_wait3A_95 = arith.constant 0 : i32
        %dma_wait3A_96 = arith.constant 0 : i32
        %dma_wait3A_97 = tpu.memref_slice %arg5[%arg0, %dma_wait3A_95, %dma_wait3A_96] : memref<2x512x128xf32, #tpu.memory_space<hbm>> -> memref<1x512x128xf32, #tpu.memory_space<hbm>>
        %dma_wait3A_98 = tpu.memref_squeeze %dma_wait3A_97 : memref<1x512x128xf32, #tpu.memory_space<hbm>> -> memref<512x128xf32, #tpu.memory_space<hbm>>
        %dma_wait3A_99 = arith.constant 0 : i32
        %dma_wait3A_100 = arith.constant 0 : i32
        %dma_wait3A_101 = tpu.memref_slice %arg11[%dma_wait3A_99, %dma_wait3A_100] : memref<513x128xf32, #tpu.memory_space<vmem_shared>> -> memref<512x128xf32, #tpu.memory_space<vmem_shared>>
        tpu.wait_dma2 semaphore(%run_scoped3A : memref<!tpu.dma_semaphore, #tpu.memory_space<semaphore_mem>>) src(%dma_wait3A_101 : memref<512x128xf32, #tpu.memory_space<vmem_shared>>) dst(%dma_wait3A_98 : memref<512x128xf32, #tpu.memory_space<hbm>>)
        tpu.yield
      }) : () -> ()
    } else {
    }
    return
  }
}

module attributes {stable_mosaic.version = 14 : i64} {
  func.func @_mlp_body(%arg0: memref<2x512x128xf32, #tpu.memory_space<vmem>>, %arg1: memref<512x1xf32, #tpu.memory_space<vmem>>, %arg2: memref<512x64xf32, #tpu.memory_space<vmem>>, %arg3: memref<192x128xf32, #tpu.memory_space<vmem>>, %arg4: memref<1x128xf32, #tpu.memory_space<vmem>>, %arg5: memref<1x128xf32, #tpu.memory_space<vmem>>, %arg6: memref<1x128xf32, #tpu.memory_space<vmem>>, %arg7: memref<128x128xf32, #tpu.memory_space<vmem>>, %arg8: memref<1x128xf32, #tpu.memory_space<vmem>>, %arg9: memref<512x128xf32, #tpu.memory_space<vmem>>) attributes {dimension_semantics = [], scalar_prefetch = 0 : i64, scratch_operands = 0 : i64, tpu.core_type = #tpu.core_type<tc>} {
    %get3A = arith.constant 0 : index
    %get3A_0 = arith.constant 0 : index
    %get3A_1 = arith.constant 0 : index
    %get3A_2 = vector.load %arg0[%get3A, %get3A_0, %get3A_1] : memref<2x512x128xf32, #tpu.memory_space<vmem>>, vector<1x512x128xf32>
    %get3A_3 = vector.shape_cast %get3A_2 : vector<1x512x128xf32> to vector<512x128xf32>
    %get3A_4 = arith.constant 1 : index
    %get3A_5 = arith.constant 0 : index
    %get3A_6 = arith.constant 0 : index
    %get3A_7 = vector.load %arg0[%get3A_4, %get3A_5, %get3A_6] : memref<2x512x128xf32, #tpu.memory_space<vmem>>, vector<1x512x128xf32>
    %get3A_8 = vector.shape_cast %get3A_7 : vector<1x512x128xf32> to vector<512x128xf32>
    %add3A = arith.addf %get3A_3, %get3A_8 : vector<512x128xf32>
    %get3A_9 = arith.constant 0 : index
    %get3A_10 = arith.constant 0 : index
    %get3A_11 = vector.load %arg1[%get3A_9, %get3A_10] : memref<512x1xf32, #tpu.memory_space<vmem>>, vector<512x1xf32>
    %max3A = arith.constant 1.000000e+00 : f32
    %max3A_12 = vector.broadcast %max3A : f32 to vector<512x1xf32>
    %max3A_13 = arith.maximumf %get3A_11, %max3A_12 : vector<512x1xf32>
    %div3A = vector.broadcast %max3A_13 : vector<512x1xf32> to vector<512x128xf32>
    %div3A_14 = arith.divf %add3A, %div3A : vector<512x128xf32>
    %get3A_15 = arith.constant 0 : index
    %get3A_16 = arith.constant 0 : index
    %get3A_17 = vector.load %arg2[%get3A_15, %get3A_16] : memref<512x64xf32, #tpu.memory_space<vmem>>, vector<512x64xf32>
    %get3A_18 = arith.constant 0 : index
    %get3A_19 = arith.constant 0 : index
    %get3A_20 = vector.load %arg3[%get3A_18, %get3A_19] : memref<192x128xf32, #tpu.memory_space<vmem>>, vector<64x128xf32>
    %dot_general3A = arith.constant dense<0.000000e+00> : vector<512x128xf32>
    %dot_general3A_21 = tpu.matmul %get3A_17, %get3A_20, %dot_general3A {dimension_numbers = #tpu.dot_dimension_numbers<[1], [0], [0], [1], [0, 0, 1, 1], [], []>, precision = #tpu.contract_precision<fp32>, transpose_lhs_hint = false} : vector<512x64xf32>, vector<64x128xf32>, vector<512x128xf32> -> vector<512x128xf32>
    %get3A_22 = arith.constant 64 : index
    %get3A_23 = arith.constant 0 : index
    %get3A_24 = vector.load %arg3[%get3A_22, %get3A_23] : memref<192x128xf32, #tpu.memory_space<vmem>>, vector<128x128xf32>
    %dot_general3A_25 = arith.constant dense<0.000000e+00> : vector<512x128xf32>
    %dot_general3A_26 = tpu.matmul %div3A_14, %get3A_24, %dot_general3A_25 {dimension_numbers = #tpu.dot_dimension_numbers<[1], [0], [0], [1], [0, 0, 1, 1], [], []>, precision = #tpu.contract_precision<fp32>, transpose_lhs_hint = false} : vector<512x128xf32>, vector<128x128xf32>, vector<512x128xf32> -> vector<512x128xf32>
    %add3A_27 = arith.addf %dot_general3A_21, %dot_general3A_26 : vector<512x128xf32>
    %get3A_28 = arith.constant 0 : index
    %get3A_29 = arith.constant 0 : index
    %get3A_30 = vector.load %arg4[%get3A_28, %get3A_29] : memref<1x128xf32, #tpu.memory_space<vmem>>, vector<1x128xf32>
    %add3A_31 = vector.broadcast %get3A_30 : vector<1x128xf32> to vector<512x128xf32>
    %add3A_32 = arith.addf %add3A_27, %add3A_31 : vector<512x128xf32>
    %ge3A = arith.constant 0.000000e+00 : f32
    %ge3A_33 = vector.broadcast %ge3A : f32 to vector<512x128xf32>
    %ge3A_34 = arith.cmpf oge, %add3A_32, %ge3A_33 : vector<512x128xf32>
    %mul3A = arith.constant 0.00999999977 : f32
    %mul3A_35 = vector.broadcast %mul3A : f32 to vector<512x128xf32>
    %mul3A_36 = arith.mulf %mul3A_35, %add3A_32 : vector<512x128xf32>
    %select_n3A = arith.select %ge3A_34, %add3A_32, %mul3A_36 : vector<512x128xi1>, vector<512x128xf32>
    %reduce_sum3A = arith.constant dense<0.000000e+00> : vector<512xf32>
    %reduce_sum3A_37 = vector.multi_reduction <add>, %select_n3A, %reduce_sum3A [1] : vector<512x128xf32> to vector<512xf32>
    %broadcast_in_dim3A = vector.shape_cast %reduce_sum3A_37 : vector<512xf32> to vector<512x1xf32>
    %div3A_38 = arith.constant 1.280000e+02 : f32
    %div3A_39 = vector.broadcast %div3A_38 : f32 to vector<512x1xf32>
    %div3A_40 = arith.divf %broadcast_in_dim3A, %div3A_39 : vector<512x1xf32>
    %sub3A = vector.broadcast %div3A_40 : vector<512x1xf32> to vector<512x128xf32>
    %sub3A_41 = arith.subf %select_n3A, %sub3A : vector<512x128xf32>
    %integer_pow3A = arith.mulf %sub3A_41, %sub3A_41 : vector<512x128xf32>
    %reduce_sum3A_42 = arith.constant dense<0.000000e+00> : vector<512xf32>
    %reduce_sum3A_43 = vector.multi_reduction <add>, %integer_pow3A, %reduce_sum3A_42 [1] : vector<512x128xf32> to vector<512xf32>
    %broadcast_in_dim3A_44 = vector.shape_cast %reduce_sum3A_43 : vector<512xf32> to vector<512x1xf32>
    %div3A_45 = arith.constant 1.280000e+02 : f32
    %div3A_46 = vector.broadcast %div3A_45 : f32 to vector<512x1xf32>
    %div3A_47 = arith.divf %broadcast_in_dim3A_44, %div3A_46 : vector<512x1xf32>
    %sub3A_48 = vector.broadcast %div3A_40 : vector<512x1xf32> to vector<512x128xf32>
    %sub3A_49 = arith.subf %select_n3A, %sub3A_48 : vector<512x128xf32>
    %add3A_50 = arith.constant 9.99999974E-6 : f32
    %add3A_51 = vector.broadcast %add3A_50 : f32 to vector<512x1xf32>
    %add3A_52 = arith.addf %div3A_47, %add3A_51 : vector<512x1xf32>
    %rsqrt3A = math.rsqrt %add3A_52 : vector<512x1xf32>
    %mul3A_53 = vector.broadcast %rsqrt3A : vector<512x1xf32> to vector<512x128xf32>
    %mul3A_54 = arith.mulf %sub3A_49, %mul3A_53 : vector<512x128xf32>
    %get3A_55 = arith.constant 0 : index
    %get3A_56 = arith.constant 0 : index
    %get3A_57 = vector.load %arg5[%get3A_55, %get3A_56] : memref<1x128xf32, #tpu.memory_space<vmem>>, vector<1x128xf32>
    %mul3A_58 = vector.broadcast %get3A_57 : vector<1x128xf32> to vector<512x128xf32>
    %mul3A_59 = arith.mulf %mul3A_54, %mul3A_58 : vector<512x128xf32>
    %get3A_60 = arith.constant 0 : index
    %get3A_61 = arith.constant 0 : index
    %get3A_62 = vector.load %arg6[%get3A_60, %get3A_61] : memref<1x128xf32, #tpu.memory_space<vmem>>, vector<1x128xf32>
    %add3A_63 = vector.broadcast %get3A_62 : vector<1x128xf32> to vector<512x128xf32>
    %add3A_64 = arith.addf %mul3A_59, %add3A_63 : vector<512x128xf32>
    %get3A_65 = arith.constant 0 : index
    %get3A_66 = arith.constant 0 : index
    %get3A_67 = vector.load %arg7[%get3A_65, %get3A_66] : memref<128x128xf32, #tpu.memory_space<vmem>>, vector<128x128xf32>
    %dot_general3A_68 = arith.constant dense<0.000000e+00> : vector<512x128xf32>
    %dot_general3A_69 = tpu.matmul %add3A_64, %get3A_67, %dot_general3A_68 {dimension_numbers = #tpu.dot_dimension_numbers<[1], [0], [0], [1], [0, 0, 1, 1], [], []>, precision = #tpu.contract_precision<fp32>, transpose_lhs_hint = false} : vector<512x128xf32>, vector<128x128xf32>, vector<512x128xf32> -> vector<512x128xf32>
    %get3A_70 = arith.constant 0 : index
    %get3A_71 = arith.constant 0 : index
    %get3A_72 = vector.load %arg8[%get3A_70, %get3A_71] : memref<1x128xf32, #tpu.memory_space<vmem>>, vector<1x128xf32>
    %add3A_73 = vector.broadcast %get3A_72 : vector<1x128xf32> to vector<512x128xf32>
    %add3A_74 = arith.addf %dot_general3A_69, %add3A_73 : vector<512x128xf32>
    %swap3A = arith.constant 0 : index
    %swap3A_75 = arith.constant 0 : index
    %swap3A_76 = vector.load %arg9[%swap3A, %swap3A_75] : memref<512x128xf32, #tpu.memory_space<vmem>>, vector<512x128xf32>
    tpu.vector_store %arg9[%swap3A, %swap3A_75], %add3A_74 {strides = array<i32>} : memref<512x128xf32, #tpu.memory_space<vmem>>, vector<512x128xf32>,
    return
  }
}

module attributes {stable_mosaic.version = 14 : i64} {
  func.func @_cnt_body(%arg0: i32, %arg1: memref<1x1x20000xi32, #tpu.memory_space<vmem>>, %arg2: memref<32x16xf32, #tpu.memory_space<vmem>>) attributes {dimension_semantics = [#tpu.dimension_semantics<arbitrary>], iteration_bounds = array<i64: 5>, scalar_prefetch = 0 : i64, scratch_operands = 0 : i64, tpu.core_type = #tpu.core_type<tc>, window_params = [{transform_indices = @transform_0, window_bounds = array<i64: 1, 1, 20000>}, {pipeline_mode = #tpu.pipeline_mode<synchronous>, transform_indices = @transform_1, window_bounds = array<i64: 32, 16>}]} {
    %get3A = arith.constant 0 : index
    %get3A_0 = arith.constant 0 : index
    %get3A_1 = arith.constant 0 : index
    %get3A_2 = vector.load %arg1[%get3A, %get3A_0, %get3A_1] : memref<1x1x20000xi32, #tpu.memory_space<vmem>>, vector<1x1x20000xi32>
    %get3A_3 = vector.shape_cast %get3A_2 : vector<1x1x20000xi32> to vector<1x20000xi32>
    %shift_right_arithmetic3A = arith.constant 4 : i32
    %shift_right_arithmetic3A_4 = vector.broadcast %shift_right_arithmetic3A : i32 to vector<1x20000xi32>
    %shift_right_arithmetic3A_5 = arith.shrsi %get3A_3, %shift_right_arithmetic3A_4 : vector<1x20000xi32>
    %and3A = arith.constant 15 : i32
    %and3A_6 = vector.broadcast %and3A : i32 to vector<1x20000xi32>
    %and3A_7 = arith.andi %get3A_3, %and3A_6 : vector<1x20000xi32>
    %iota3A = tpu.iota {dimensions = array<i32: 0>} : vector<32x1xi32>
    %eq3A = vector.broadcast %shift_right_arithmetic3A_5 : vector<1x20000xi32> to vector<32x20000xi32>
    %eq3A_8 = vector.broadcast %iota3A : vector<32x1xi32> to vector<32x20000xi32>
    %eq3A_9 = arith.cmpi eq, %eq3A, %eq3A_8 : vector<32x20000xi32>
    %iota3A_10 = tpu.iota {dimensions = array<i32: 0>} : vector<16x1xi32>
    %eq3A_11 = vector.broadcast %and3A_7 : vector<1x20000xi32> to vector<16x20000xi32>
    %eq3A_12 = vector.broadcast %iota3A_10 : vector<16x1xi32> to vector<16x20000xi32>
    %eq3A_13 = arith.cmpi eq, %eq3A_11, %eq3A_12 : vector<16x20000xi32>
    %convert_element_type3A = arith.extui %eq3A_9 : vector<32x20000xi1> to vector<32x20000xi32>
    %convert_element_type3A_14 = arith.sitofp %convert_element_type3A : vector<32x20000xi32> to vector<32x20000xf32>
    %convert_element_type3A_15 = arith.extui %eq3A_13 : vector<16x20000xi1> to vector<16x20000xi32>
    %convert_element_type3A_16 = arith.sitofp %convert_element_type3A_15 : vector<16x20000xi32> to vector<16x20000xf32>
    %dot_general3A = arith.constant dense<0.000000e+00> : vector<32x16xf32>
    %dot_general3A_17 = tpu.matmul %convert_element_type3A_14, %convert_element_type3A_16, %dot_general3A {dimension_numbers = #tpu.dot_dimension_numbers<[1], [1], [0], [0], [0, 0, 1, 0], [], []>, transpose_lhs_hint = false} : vector<32x20000xf32>, vector<16x20000xf32>, vector<32x16xf32> -> vector<32x16xf32>
    %eq3A_18 = arith.constant 0 : i32
    %eq3A_19 = arith.cmpi eq, %arg0, %eq3A_18 : i32
    %convert_element_type3A_20 = arith.extui %eq3A_19 : i1 to i32
    %cond3A = arith.constant 0 : i32
    %cond3A_21 = arith.cmpi ne, %convert_element_type3A_20, %cond3A : i32
    scf.if %cond3A_21 {
      %broadcast_in_dim3A = arith.constant 0.000000e+00 : f32
      %broadcast_in_dim3A_27 = vector.broadcast %broadcast_in_dim3A : f32 to vector<32x16xf32>
      %swap3A_28 = arith.constant 0 : index
      %swap3A_29 = arith.constant 0 : index
      %swap3A_30 = vector.load %arg2[%swap3A_28, %swap3A_29] : memref<32x16xf32, #tpu.memory_space<vmem>>, vector<32x16xf32>
      tpu.vector_store %arg2[%swap3A_28, %swap3A_29], %broadcast_in_dim3A_27 {strides = array<i32>} : memref<32x16xf32, #tpu.memory_space<vmem>>, vector<32x16xf32>,
    } else {
    }
    %get3A_22 = arith.constant 0 : index
    %get3A_23 = arith.constant 0 : index
    %get3A_24 = vector.load %arg2[%get3A_22, %get3A_23] : memref<32x16xf32, #tpu.memory_space<vmem>>, vector<32x16xf32>
    %add3A = arith.addf %get3A_24, %dot_general3A_17 : vector<32x16xf32>
    %swap3A = arith.constant 0 : index
    %swap3A_25 = arith.constant 0 : index
    %swap3A_26 = vector.load %arg2[%swap3A, %swap3A_25] : memref<32x16xf32, #tpu.memory_space<vmem>>, vector<32x16xf32>
    tpu.vector_store %arg2[%swap3A, %swap3A_25], %add3A {strides = array<i32>} : memref<32x16xf32, #tpu.memory_space<vmem>>, vector<32x16xf32>,
    return
  }
  func.func @transform_0(%arg0: i32) -> (i32, i32, i32) {
    %c0_i32 = arith.constant 0 : i32
    %c0_i32_0 = arith.constant 0 : i32
    %c0_i32_1 = arith.constant 0 : i32
    return %arg0, %c0_i32, %c0_i32_0 : i32, i32, i32
  }
  func.func @transform_1(%arg0: i32) -> (i32, i32) {
    %c0_i32 = arith.constant 0 : i32
    %c0_i32_0 = arith.constant 0 : i32
    %c0_i32_1 = arith.constant 0 : i32
    return %c0_i32, %c0_i32_0 : i32, i32
  }
}

</mosaic_0001>

<sc_bundles>
// kernel: kernel.5.cloned.1.call-start
scs
__scs_entry_jumppad:
0x0: {  	(pc) =	sbr.rel $0x88, $3  }
0x1: {  	(tag) =	ssettag $0x0;
	lr =	simm.s32 $0x1  }
0x2: {  	[smem:$0x3F98] =	sst lr;
	_ =	strace $0xD0000000  }
0x3: {  	_ = 	snop  }
0x4: {  	_ = 	snop  }
0x5: {  	_ = 	snop  }
0x6: {  	_ = 	snop  }
0x7: {  	_ = 	snop  }
__scs_overlays_trampoline_lowered:
0x8: {  	[smem:$0x3FA7] =	sst s0  }
0x9: {  	[smem:$0x3FA8] =	sst s1  }
0xa: {  	[smem:$0x3FA9] =	sst s2  }
0xb: {  	[smem:$0x3FAA] =	sst s3  }
0xc: {  	[smem:$0x3FAB] =	sst s4  }
0xd: {  	[smem:$0x3FAC] =	sst s5  }
0xe: {  	[smem:$0x3FAD] =	sst s6  }
0xf: {  	[smem:$0x3FAE] =	sst s7  }
0x10: {  	[smem:$0x3FAF] =	sst s8  }
0x11: {  	[smem:$0x3FB0] =	sst s9;
	s0 =	simm.s32 @!p0 $0x0  }
0x12: {  	s1 =	sld [smem:$0x3F96];
	s0 =	simm.s32 @p0 $0x1  }
0x13: {  	[smem:$0x3FB1] =	sst s0;
	s0 =	simm.s32 @!p1 $0x0  }
0x14: {  	s2 =	sld [smem:$0x3F95];
	s0 =	simm.s32 @p1 $0x1  }
0x15: {  	[smem:$0x3FB2] =	sst s0;
	s0 =	simm.s32 @!p2 $0x0  }
0x16: {  	s3 =	sld [smem:$0x3FDB];
	s0 =	simm.s32 @p2 $0x1  }
0x17: {  	s4 =	simm.s32 $0x1BF5;
	[smem:$0x3FB4] =	sst s0  }
0x18: {  	s0 =	sld [smem:$0x3F97];
	_ =	swait.ge [sflag:s4], $0x0  }
0x19: {  	s7 =	sld [smem:$0x3F98]  }
0x1a: {  	s8 =	sadd.s32 $0xFFFFE003, lr  }
0x1b: {  	s9 =	sadd.s32 $0xFFFFFEF7, lr;
	s5 =	simm.s32 $0xFFFFFFFF;
	p2 =	slt.u32 s8, $0xFFFFF086  }
0x1c: {  	p1 =	slt.u32 s9, $0xF7A;
	s5 =	simm.s32 @!p2 $0x0  }
0x1d: {  	s5 =	simm.s32 @p1 $0x1;
	p0 =	seq.s32 s7, s2  }
0x1e: {  	s7 =	smul.u32 @!p0 $0xF7A, s2;
	p2 =	seq.s32 @!p0 s5, $0x0  }
0x1f: {  	s9 =	smul.u32 $0xF7A, s1;
	s8 =	simm.s32 @!p0 $0x1BF5;
	p2 =	por !p2, p0  }
0x20: {  	[sflag:s8] =	ssyncset.s32 @!p0 $0xFFFFF086;
	s6 =	sadd.s32 @!p0 s3, s7;
	s7 =	simm.s32 @!p0 $0x108  }
0x21: {  	s3 =	sadd.s32 s3, s9;
	s6 =	sadd.s32 @!p0 $0x88, s6;
	s7 =	simm.s32 @p2 $0x1082  }
0x22: {  	[simem:s7], [sflag:s8] =	dma.local @!p0 [hbm:s6], $0xF7A  }
0x23: {  	s9 =	sor.u32 $0xD0000000, s2;
	s6 =	simm.s32 $0x108;
	_ =	swait.ge @!p0 [sflag:s8], $0x0  }
0x24: {  	s3 =	sadd.s32 $0x88, s3;
	s6 =	simm.s32 @!p1 $0x1082;
	[sflag:s4] =	ssyncset.s32 $0xFFFFF086  }
0x25: {  	[simem:s6], [sflag:s4] =	dma.local [hbm:s3], $0xF7A  }
0x26: {  	[smem:$0x3F98] =	sst s1;
	(tag) =	ssettag s2;
	_ =	strace s9  }
0x27: {  	s1 =	sld [smem:$0x3FA8]  }
0x28: {  	s2 =	sld [smem:$0x3FA9]  }
0x29: {  	s4 =	sld [smem:$0x3FAB]  }
0x2a: {  	p0 =	seq.s32 s5, $0x0;
	s5 =	sld [smem:$0x3FAC]  }
0x2b: {  	s6 =	sld [smem:$0x3FAD]  }
0x2c: {  	s7 =	sld [smem:$0x3FAE]  }
0x2d: {  	s3 =	simm.s32 $0x108;
	s8 =	sld [smem:$0x3FAF]  }
0x2e: {  	s3 =	simm.s32 @!p0 $0x1082;
	s9 =	sld [smem:$0x3FB0]  }
0x2f: {  	lr =	sadd.s32 s0, s3;
	s0 =	sld [smem:$0x3FA7]  }
0x30: {  	s3 =	sld [smem:$0x3FAA]  }
0x31: {  	[smem:$0x3FB3] =	sst s10  }
0x32: {  	s10 =	sld [smem:$0x3FB1];
	_ =	sdelay $0x3  }
0x33: {  	p0 =	seq.s32 s10, $0x1;
	s10 =	sld [smem:$0x3FB3];
	_ =	sdelay $0x3  }
0x34: {  	[smem:$0x3FB3] =	sst s10  }
0x35: {  	s10 =	sld [smem:$0x3FB2];
	_ =	sdelay $0x3  }
0x36: {  	p1 =	seq.s32 s10, $0x1;
	s10 =	sld [smem:$0x3FB3];
	_ =	sdelay $0x3  }
0x37: {  	[smem:$0x3FB3] =	sst s10  }
0x38: {  	s10 =	sld [smem:$0x3FB4]  }
0x39: {  	_ = 	snop;
	(pc) =	sbr.ind lr, $3  }
0x3a: {  	_ = 	snop  }
0x3b: {  	_ = 	snop  }
0x3c: {  	p2 =	seq.s32 s10, $0x1;
	s10 =	sld [smem:$0x3FB3]  }
0x3d: {  	_ =	shalt  }
0x3e: {  	_ =	shalt  }
0x3f: {  	_ =	shalt  }
0x40: {  	_ =	shalt  }
0x41: {  	_ =	shalt  }
0x42: {  	_ =	shalt  }
0x43: {  	_ =	shalt  }
0x44: {  	_ =	shalt  }
0x45: {  	_ =	shalt  }
0x46: {  	_ =	shalt  }
0x47: {  	_ =	shalt  }
0x48: {  	_ =	shalt  }
0x49: {  	_ =	shalt  }
0x4a: {  	_ =	shalt  }
0x4b: {  	_ =	shalt  }
0x4c: {  	_ =	shalt  }
0x4d: {  	_ =	shalt  }
0x4e: {  	_ =	shalt  }
0x4f: {  	_ =	shalt  }
0x50: {  	_ =	shalt  }
0x51: {  	_ =	shalt  }
0x52: {  	_ =	shalt  }
0x53: {  	_ =	shalt  }
0x54: {  	_ =	shalt  }
0x55: {  	_ =	shalt  }
0x56: {  	_ =	shalt  }
0x57: {  	_ =	shalt  }
0x58: {  	_ =	shalt  }
0x59: {  	_ =	shalt  }
0x5a: {  	_ =	shalt  }
0x5b: {  	_ =	shalt  }
0x5c: {  	_ =	shalt  }
0x5d: {  	_ =	shalt  }
0x5e: {  	_ =	shalt  }
0x5f: {  	_ =	shalt  }
0x60: {  	_ =	shalt  }
0x61: {  	_ =	shalt  }
0x62: {  	_ =	shalt  }
0x63: {  	_ =	shalt  }
0x64: {  	_ =	shalt  }
0x65: {  	_ =	shalt  }
0x66: {  	_ =	shalt  }
0x67: {  	_ =	shalt  }
0x68: {  	_ =	shalt  }
0x69: {  	_ =	shalt  }
0x6a: {  	_ =	shalt  }
0x6b: {  	_ =	shalt  }
0x6c: {  	_ =	shalt  }
0x6d: {  	_ =	shalt  }
0x6e: {  	_ =	shalt  }
0x6f: {  	_ =	shalt  }
0x70: {  	_ =	shalt  }
0x71: {  	_ =	shalt  }
0x72: {  	_ =	shalt  }
0x73: {  	_ =	shalt  }
0x74: {  	_ =	shalt  }
0x75: {  	_ =	shalt  }
0x76: {  	_ =	shalt  }
0x77: {  	_ =	shalt  }
0x78: {  	_ =	shalt  }
0x79: {  	_ =	shalt  }
0x7a: {  	_ =	shalt  }
0x7b: {  	_ =	shalt  }
0x7c: {  	_ =	shalt  }
0x7d: {  	_ =	shalt  }
0x7e: {  	_ =	shalt  }
0x7f: {  	_ =	shalt  }
0x80: {  	_ =	shalt  }
0x81: {  	_ =	shalt  }
0x82: {  	_ =	shalt  }
0x83: {  	_ =	shalt  }
0x84: {  	_ =	shalt  }
0x85: {  	_ =	shalt  }
0x86: {  	_ =	shalt  }
0x87: {  	_ =	shalt  }
.Lfunc_end0:
.L_simem_size_0:
called_computation_lowered:
.L_overlay_start_0:
0x88: {  	s2 =	sld [smem:$0x3FD9]  }
0x89: {  	s3 =	sld [smem:$0x3FFE];
	_ =	sdelay $0x1  }
0x8a: {  	s1 =	srdreg.scid  }
0x8b: {  	s0 =	sand.u32 $0x1, s1  }
0x8c: {  	s17 =	sshll.u32 s0, $0xA;
	s2 =	sadd.s32 s3, s2  }
0x8d: {  	s2 =	sadd.s32 s2, s17  }
0x8e: {  	[smem:$0x3FBF] =	sst s2  }
0x8f: {  	_ = 	snop  }
0x90: {  	s2 =	sld [smem:$0x3FC9]  }
0x91: {  	s18 =	sld [smem:$0x3FC7];
	(tm) =	ssettm $0x1  }
0x92: {  	s4 =	sld [smem:$0x3FFB];
	_ =	sdelay $0x3  }
0x93: {  	_ =	strace s4  }
0x94: {  	s4 =	sld [smem:$0x3FFC];
	_ =	sdelay $0x3  }
0x95: {  	_ =	strace s4  }
0x96: {  	s4 =	sld [smem:$0x3FFD];
	_ =	sdelay $0x3  }
0x97: {  	_ =	strace s4  }
0x98: {  	_ =	strace $0x8FFFFFFF  }
0x99: {  	s19 =	sld [smem:$0x3FDB];
	_ =	sdelay $0x1  }
0x9a: {  	s5 =	simm.s32 $_scs_section_size  }
0x9b: {  	s6 =	simm.s32 $_size__tile_overlayer_lowered;
	s7 =	simm.s32 $_tile_overlayer_lowered  }
0x9c: {  	s22 =	simm.s32 $0x1BFF;
	s21 =	sshll.u32 s7, $0x1;
	s4 =	sadd.s32 s5, s19  }
0x9d: {  	s8 =	simm.s32 $0x0;
	s20 =	sshll.u32 s6, $0x1;
	s6 =	sadd.s32 s21, s4  }
0x9e: {  	[timem:s8], [sflag:s22] =	dma.local [hbm:s6], s20  }
0x9f: {  	_ =	swait.ge [sflag:s22], s20  }
0xa0: {  	s5 =	ssub.s32 $0x0, s20;
	[sflag:s22] =	ssyncset.done $0x0  }
0xa1: {  	[sflag:s22] =	ssyncadd.s32 s5;
	_ =	sdelay $0x1  }
0xa2: {  	s23 =	simm.s32 $0x1B8B  }
0xa3: {  	_ =	swait.ge [sflag:s23], $0x1  }
0xa4: {  	[sflag:s23] =	ssyncset.done $0x0  }
0xa5: {  	s25 =	simm.s32 $0x1B8E;
	s24 =	sld [smem:$0x3FFE];
	[sflag:s23] =	ssyncadd.s32 $0xFFFFFFFF  }
0xa6: {  	s26 =	simm.s32 $execute0_lowered;
	[smem:$0x3FD2] =	sst s25  }
0xa7: {  	s6 =	sshll.u32 s26, $0x1;
	_ =	strace $0x80000046;
	[dreg:$0x1] =	wrdreg $0xFFFFFFFF  }
0xa8: {  	s28 =	simm.s32 $_size_execute0_lowered;
	s4 =	sadd.s32 s4, s6;
	[dreg:$0x0] =	wrdreg $0x0  }
0xa9: {  	s6 =	sshll.u32 s28, $0x1;
	[dreg:$0x2] =	wrdreg s4  }
0xaa: {  	[dreg:$0x3] =	wrdreg s6  }
0xab: {  	[dreg:$0x4] =	wrdreg $0xC0  }
0xac: {  	_ =	task [dreg:s8], $0x5FFFF  }
0xad: {  	[dreg:$0x1] =	wrdreg $0xFFFFFFFF  }
0xae: {  	[dreg:$0x0] =	wrdreg $0x60  }
0xaf: {  	[dreg:$0x2] =	wrdreg s2  }
0xb0: {  	[dreg:$0x3] =	wrdreg s18  }
0xb1: {  	[dreg:$0x4] =	wrdreg s24  }
0xb2: {  	[dreg:$0x5] =	wrdreg $0x102000  }
0xb3: {  	[dreg:$0x6] =	wrdreg $0x9  }
0xb4: {  	_ =	task.clear_ibuf [dreg:s8], $0x7FFFF;
	_ =	strace $0x90000046  }
0xb5: {  	s29 =	simm.s32 $0x9;
	_ =	strace $0x80000048  }
0xb6: {  	_ =	swait.ge [sflag:s29], $0x1  }
0xb7: {  	[sflag:s29] =	ssyncadd.s32 $0xFFFFFFFF  }
0xb8: {  	_ =	strace $0x90000048  }
0xb9: {  	_ =	sfence  }
0xba: {  	s30 =	sld [smem:$0x0];
	_ =	sdelay $0x2  }
0xbb: {  	s31 =	sshll.u32 s1, $0xD;
	s1 =	sshrl.u32 s1, $0x2  }
0xbc: {  	s3 =	sand.u32 $0x4000, s31;
	s1 =	sadd.s32 s1, s30  }
0xbd: {  	s0 =	sor.u32 s3, s0;
	s1 =	sshll.u32 s1, $0x11  }
0xbe: {  	s0 =	sor.u32 s1, s0  }
0xbf: {  	s0 =	sadd.s32 $0x8F2B, s0  }
0xc0: {  	[sflag:s0] =	ssyncadd.remote.s32 $0x1  }
0xc1: {  	_ =	sfence.sel $0xFFFF  }
0xc2: {  	[dreg:$0x0] =	wrdreg $0xFFFFFFFF;
	(pc) =	sbr.abs _section_cstart, $3  }
0xc3: {  	[dreg:$0x1] =	wrdreg $0xFFFFFFFF  }
0xc4: {  	_ =	task.clear_ibuf [dreg:s8], $0x2FFFF;
	_ =	strace $0x9FFFFFFF  }
0xc5: {  	(tm) =	ssettm $0x7FFFFFFF  }
tec
execute0_lowered:
.L_overlay_start_1:
0x0: {  	(tag) =	ssettag $0x1  }
0x1: {  	s0 =	rddreg [dreg:$0x0]  }
0x2: {  	s1 =	rddreg [dreg:$0x1]  }
0x3: {  	s5 =	rddreg [dreg:$0x2]  }
0x4: {  	s2 =	rddreg [dreg:$0x3]  }
0x5: {  	s3 =	simm.s32 $0x0;
	s4 =	srdreg.scid;
	s15 =	stileid.u32  }
0x6: {  	[smem:$0x7FF] =	sst s3;
	s14 =	sand.u32 $0x1, s4;
	s20 =	sadd.s32 $0x1600, s5  }
0x7: {  	s7 =	sshll.u32 s15, $0x1;
	p0 =	slt.u32 s15, $0x3;
	s10 =	sshll.u32 s15, $0x9  }
0x8: {  	s26 =	sshll.u32 s15, $0xD;
	_ =	strace $0x80000047;
	[dreg:$0xa] =	wrdreg s20  }
0x9: {  	s6 =	ssub.s32 $0x2, s14;
	s8 =	sshll.u32 s14, $0xD;
	s19 =	sor.u32 s14, s7  }
0xa: {  	s11 =	sshll.u32 s14, $0x8;
	s14 =	sshll.u32 s14, $0xC;
	s20 =	simm.s32 $0x6  }
0xb: {  	s9 =	sshrl.u32 s6, $0x1;
	s12 =	sadd.s32 s8, s5;
	s21 =	sshll.u32 s19, $0x5  }
0xc: {  	s5 =	simm.s32 $0xD;
	s23 =	sshll.u32 s19, $0xC;
	s16 =	sor.u32 s11, s10  }
0xd: {  	s10 =	sadd.s32 $0x30D0, s1;
	p1 =	sne.s32 s19, $0x7;
	s19 =	simm.s32 $0x5  }
0xe: {  	s13 =	ssub.s32 s6, s9;
	s6 =	sadd.s32 s1, s21;
	s5 =	simm.s32 @!p0 $0xC  }
0xf: {  	s8 =	sadd.s32 s0, s23;
	s11 =	sshrl.u32 s16, $0x3;
	s9 =	sadd.s32 $0x30C0, s1  }
0x10: {  	s12 =	sadd.s32 $0x3800, s12;
	s28 =	sor.u32 $0x2000, s16;
	s18 =	sor.u32 $0x4080, s16  }
0x11: {  	p0 =	sne.s32 s15, $0x0;
	s15 =	sor.u32 $0x4000, s16;
	s21 =	simm.s32 $0x0  }
0x12: {  	s22 =	sadd.s32 $0x10, s6;
	s24 =	sadd.s32 $0xFFFFFFFF, s5;
	s25 =	sadd.s32 $0xFFFFFFFE, s5  }
0x13: {  	s17 =	sadd.s32 s11, s1;
	s11 =	sadd.s32 $0x186000, s0;
	[dreg:$0xb] =	wrdreg s22  }
0x14: {  	s13 =	smax.u32 s13, $0x1;
	s0 =	sadd.s32 s26, s0;
	[dreg:$0x5] =	wrdreg s24  }
0x15: {  	s30 =	sshrl.u32 s18, $0x3;
	[dreg:$0x8] =	wrdreg s25;
	s17 =	sadd.s32 $0x410, s17  }
0x16: {  	s31 =	sadd.s32 s30, s1;
	[dreg:$0x7] =	wrdreg s17;
	s17 =	sshrl.u32 s28, $0x3  }
0x17: {  	s0 =	sadd.s32 s14, s0;
	[dreg:$0x9] =	wrdreg s31;
	s29 =	sadd.s32 s17, s1  }
0x18: {  	s16 =	sshrl.u32 @!p0 s2, $0x3;
	s14 =	sadd.s32 $0x20000, s0;
	[dreg:$0x6] =	wrdreg s29  }
.LBB2_1:
0x19: {  	s0 =	simm.s32 @!p0 $0x1C07;
	s4 =	rddreg [dreg:$0xa]  }
0x1a: {  	[spmem:s16], [sflag:s0] =	dma.local @!p0 [hbm:s4], $0x2010  }
0x1b: {  	s0 =	simm.s32 @!p0 $0x7  }
0x1c: {  	_ =	swait.ge @!p0 [sflag:s0], $0x2010  }
0x1d: {  	[sflag:s0] =	ssyncset.done @!p0 $0x0  }
0x1e: {  	[sflag:s0] =	ssyncadd.s32 @!p0 $0xFFFFDFF0  }
0x1f: {  	[bflag:$0x0] =	sbarrier.arrive $0xFFFF  }
0x20: {  	[tilespmem:s3], [sflag:$0x1] =	stream.linear.gather [hbm4b:s6+s3], $0x80, $0x38;
	[tilespmem:$0x11208] =	vst v63  }
0x21: {  	s25 =	simm.s32 $0x80;
	p3 =	sle.u32 s5, $0x0;
	s24 =	rddreg [dreg:$0xb]  }
0x22: {  	[tilespmem:s25], [sflag:$0x1] =	stream.linear.gather [hbm4b:s24+s3], $0x80, $0x38;
	[tilespmem:$0x11208] =	vst v63  }
0x23: {  	s26 =	simm.s32 $0x200;
	s0 =	simm.s32 @!p3 $0x1  }
0x24: {  	[tilespmem:s26], [sflag:$0x3] =	stream.linear.gather [hbm4b:s8+s3], $0x8000, $0x38;
	[tilespmem:$0x11208] =	vst v63  }
0x25: {  	_ =	swait.ge @!p3 [sflag:s0], $0x80  }
0x26: {  	[sflag:s0] =	ssyncset.done @!p3 $0x0  }
0x27: {  	[sflag:s0] =	ssyncadd.s32 @!p3 $0xFFFFFF80  }
0x28: {  	_ =	swait.ge @!p3 [sflag:s0], $0x80  }
0x29: {  	[sflag:s0] =	ssyncset.done @!p3 $0x0  }
0x2a: {  	[sflag:s0] =	ssyncadd.s32 @!p3 $0xFFFFFF80;
	s0 =	simm.s32 @!p3 $0x3  }
0x2b: {  	s22 =	simm.s32 @!p3 $0x0;
	_ =	swait.ge @!p3 [sflag:s0], $0x8000  }
0x2c: {  	s24 =	simm.s32 @!p3 $0x200;
	[sflag:s0] =	ssyncset.done @!p3 $0x0;
	s23 =	rddreg [dreg:$0x5]  }
0x2d: {  	[sflag:s0] =	ssyncadd.s32 @!p3 $0xFFFF8000;
	s0 =	simm.s32 @!p3 $0x80;
	p4 =	sle.u32 @!p3 s23, $0x0  }
0x2e: {  	[spmem:s2] =	stream.indirect.scatter.add.f32 @!p3 [tilespmem:s24], [sflag:$0x5], $0x80, s22, s0, $0xb8;
	[tilespmem:$0x11208] =	vst v63  }
0x2f: {  	p2 =	por p4, p3  }
0x30: {  	p5 =	por @!p2 $0x1, $0x1  }
0x31: {  	s22 =	simm.s32 @!p3 $0x4200;
	p4 =	por @!p3 p5, p4  }
0x32: {  	[spmem:s2] =	stream.indirect.scatter.add.f32 @!p3 [tilespmem:s22], [sflag:$0x5], $0x80, s0, s0, $0xb8;
	[tilespmem:$0x11208] =	vst v63  }
0x33: {  	p4 =	por p4, p3  }
0x34: {  	s0 =	simm.s32 @!p4 $0x6  }
0x35: {  	_ =	swait.ge @!p4 [sflag:s0], $0x4000  }
0x36: {  	[sflag:s0] =	ssyncset.done @!p4 $0x0  }
0x37: {  	[sflag:s0] =	ssyncadd.s32 @!p4 $0xFFFFC000  }
0x38: {  	_ =	swait.ge @!p4 [sflag:s0], $0x4000  }
0x39: {  	s22 =	rddreg [dreg:$0x6]  }
0x3a: {  	s23 =	simm.s32 @!p2 $0x100;
	[sflag:s0] =	ssyncset.done @!p4 $0x0;
	s24 =	rddreg [dreg:$0x7]  }
0x3b: {  	[sflag:s0] =	ssyncadd.s32 @!p4 $0xFFFFC000;
	s0 =	sadd.s32 @!p2 $0x0, s22;
	s22 =	simm.s32 @!p2 $0x0  }
0x3c: {  	[tilespmem:s23], [sflag:$0x2] =	stream.linear.gather @!p2 [hbm4b:s0+s22], $0x80, $0x38;
	[tilespmem:$0x11208] =	vst v63  }
0x3d: {  	p3 =	sle.u32 s5, $0x1;
	s0 =	simm.s32 @!p2 $0x180;
	s23 =	sadd.s32 @!p2 $0x0, s24  }
0x3e: {  	[tilespmem:s0], [sflag:$0x2] =	stream.linear.gather @!p2 [hbm4b:s23+s22], $0x80, $0x38;
	[tilespmem:$0x11208] =	vst v63  }
0x3f: {  	s0 =	simm.s32 @!p2 $0x8200;
	s23 =	simm.s32 @!p3 $0x2  }
0x40: {  	[tilespmem:s0], [sflag:$0x4] =	stream.linear.gather @!p2 [hbm4b:s14+s22], $0x8000, $0x38;
	[tilespmem:$0x11208] =	vst v63  }
0x41: {  	_ =	swait.ge @!p3 [sflag:s23], $0x80  }
0x42: {  	[sflag:s23] =	ssyncset.done @!p3 $0x0  }
0x43: {  	[sflag:s23] =	ssyncadd.s32 @!p3 $0xFFFFFF80  }
0x44: {  	_ =	swait.ge @!p3 [sflag:s23], $0x80  }
0x45: {  	s29 =	smov.u32 s15;
	s28 =	simm.s32 $0x0;
	[sflag:s23] =	ssyncset.done @!p3 $0x0  }
0x46: {  	s25 =	sadd.s32 $0x40000, s14;
	s0 =	simm.s32 @!p3 $0x4;
	[sflag:s23] =	ssyncadd.s32 @!p3 $0xFFFFFF80  }
0x47: {  	s26 =	simm.s32 $0x2;
	s30 =	simm.s32 @!p3 $0x80;
	_ =	swait.ge @!p3 [sflag:s0], $0x8000  }
0x48: {  	s31 =	simm.s32 @!p3 $0x180;
	s22 =	simm.s32 @!p3 $0x8200;
	[sflag:s0] =	ssyncset.done @!p3 $0x0  }
0x49: {  	s23 =	sadd.s32 $0x4000, s15;
	s24 =	rddreg [dreg:$0x8];
	[sflag:s0] =	ssyncadd.s32 @!p3 $0xFFFF8000  }
0x4a: {  	s0 =	simm.s32 @!p3 $0x100;
	p2 =	sle.u32 @!p3 s24, $0x0;
	s24 =	smov.u32 s14  }
0x4b: {  	[spmem:s2] =	stream.indirect.scatter.add.f32 @!p3 [tilespmem:s22], [sflag:$0x6], $0x80, s0, s30, $0xb8;
	[tilespmem:$0x11208] =	vst v63  }
0x4c: {  	s22 =	simm.s32 $0x800;
	s0 =	simm.s32 @!p3 $0xC200;
	p4 =	por p2, p3  }
.LBB2_2:
0x4d: {  	[spmem:s2] =	stream.indirect.scatter.add.f32 @!p3 [tilespmem:s0], [sflag:$0x6], $0x80, s31, s30, $0xb8;
	[tilespmem:$0x11208] =	vst v63  }
0x4e: {  	s30 =	simm.s32 @!p4 $0x5  }
0x4f: {  	_ =	swait.ge @!p4 [sflag:s30], $0x4000  }
0x50: {  	[sflag:s30] =	ssyncset.done @!p4 $0x0  }
0x51: {  	[sflag:s30] =	ssyncadd.s32 @!p4 $0xFFFFC000  }
0x52: {  	s29 =	sshrl.u32 @!p4 s29, $0x3;
	_ =	swait.ge @!p4 [sflag:s30], $0x4000  }
0x53: {  	s29 =	sadd.s32 @!p4 s1, s29;
	[sflag:s30] =	ssyncset.done @!p4 $0x0  }
0x54: {  	s31 =	rddreg [dreg:$0x9];
	[sflag:s30] =	ssyncadd.s32 @!p4 $0xFFFFC000;
	s30 =	simm.s32 @!p4 $0x0  }
0x55: {  	[tilespmem:s30], [sflag:$0x1] =	stream.linear.gather @!p4 [hbm4b:s29+s30], $0x80, $0x38;
	[tilespmem:$0x11208] =	vst v63  }
0x56: {  	p3 =	sge.u32 s26, s5;
	s28 =	sadd.s32 @!p4 s28, s31;
	s29 =	simm.s32 @!p4 $0x80  }
0x57: {  	[tilespmem:s29], [sflag:$0x1] =	stream.linear.gather @!p4 [hbm4b:s28+s30], $0x80, $0x38;
	[tilespmem:$0x11208] =	vst v63  }
0x58: {  	s24 =	sadd.s32 @!p4 $0x20000, s24;
	s31 =	simm.s32 @!p3 $0x1;
	s28 =	simm.s32 @!p4 $0x200  }
0x59: {  	[tilespmem:s28], [sflag:$0x3] =	stream.linear.gather @!p4 [hbm4b:s24+s30], $0x8000, $0x38;
	[tilespmem:$0x11208] =	vst v63  }
0x5a: {  	_ =	swait.ge @!p3 [sflag:s31], $0x80  }
0x5b: {  	[sflag:s31] =	ssyncset.done @!p3 $0x0  }
0x5c: {  	[sflag:s31] =	ssyncadd.s32 @!p3 $0xFFFFFF80  }
0x5d: {  	_ =	swait.ge @!p3 [sflag:s31], $0x80  }
0x5e: {  	[sflag:s31] =	ssyncset.done @!p3 $0x0  }
0x5f: {  	s0 =	simm.s32 @!p3 $0x3;
	[sflag:s31] =	ssyncadd.s32 @!p3 $0xFFFFFF80  }
0x60: {  	s18 =	smov.u32 s22;
	s17 =	simm.s32 @!p3 $0x200;
	_ =	swait.ge @!p3 [sflag:s0], $0x8000  }
0x61: {  	s30 =	simm.s32 @!p3 $0x0;
	[sflag:s0] =	ssyncset.done @!p3 $0x0;
	s31 =	rddreg [dreg:$0x5]  }
0x62: {  	[sflag:s0] =	ssyncadd.s32 @!p3 $0xFFFF8000;
	s0 =	simm.s32 @!p3 $0x80;
	p5 =	sge.u32 @!p3 s26, s31  }
0x63: {  	[spmem:s2] =	stream.indirect.scatter.add.f32 @!p3 [tilespmem:s17], [sflag:$0x5], $0x80, s30, s0, $0xb8;
	[tilespmem:$0x11208] =	vst v63  }
0x64: {  	s28 =	smov.u32 s18;
	p4 =	por p5, p3  }
0x65: {  	p6 =	seq.s32 @!p4 s28, $0x0  }
0x66: {  	s17 =	simm.s32 @!p3 $0x4200;
	p5 =	por @!p3 p6, p5  }
0x67: {  	[spmem:s2] =	stream.indirect.scatter.add.f32 @!p3 [tilespmem:s17], [sflag:$0x5], $0x80, s0, s0, $0xb8;
	[tilespmem:$0x11208] =	vst v63  }
0x68: {  	p5 =	por p5, p3  }
0x69: {  	s0 =	simm.s32 @!p5 $0x6  }
0x6a: {  	_ =	swait.ge @!p5 [sflag:s0], $0x4000  }
0x6b: {  	[sflag:s0] =	ssyncset.done @!p5 $0x0  }
0x6c: {  	[sflag:s0] =	ssyncadd.s32 @!p5 $0xFFFFC000  }
0x6d: {  	_ =	swait.ge @!p5 [sflag:s0], $0x4000  }
0x6e: {  	s30 =	sadd.s32 $0x1, s26;
	s18 =	rddreg [dreg:$0x6]  }
0x6f: {  	s4 =	simm.s32 @!p4 $0x100;
	[sflag:s0] =	ssyncset.done @!p5 $0x0;
	s7 =	rddreg [dreg:$0x7]  }
0x70: {  	[sflag:s0] =	ssyncadd.s32 @!p5 $0xFFFFC000;
	s0 =	sadd.s32 @!p4 s28, s18;
	s18 =	simm.s32 @!p4 $0x0  }
0x71: {  	[tilespmem:s4], [sflag:$0x2] =	stream.linear.gather @!p4 [hbm4b:s0+s18], $0x80, $0x38;
	[tilespmem:$0x11208] =	vst v63  }
0x72: {  	s17 =	simm.s32 @!p4 $0x180;
	p3 =	sge.u32 s30, s5;
	s0 =	sadd.s32 @!p4 s28, s7  }
0x73: {  	[tilespmem:s17], [sflag:$0x2] =	stream.linear.gather @!p4 [hbm4b:s0+s18], $0x80, $0x38;
	[tilespmem:$0x11208] =	vst v63  }
0x74: {  	s31 =	simm.s32 @!p4 $0x8200;
	s30 =	simm.s32 @!p3 $0x2  }
0x75: {  	[tilespmem:s31], [sflag:$0x4] =	stream.linear.gather @!p4 [hbm4b:s25+s18], $0x8000, $0x38;
	[tilespmem:$0x11208] =	vst v63  }
0x76: {  	_ =	swait.ge @!p3 [sflag:s30], $0x80  }
0x77: {  	s22 =	sadd.s32 $0x800, s22;
	[sflag:s30] =	ssyncset.done @!p3 $0x0  }
0x78: {  	p2 =	sne.s32 s22, $0x3800;
	[sflag:s30] =	ssyncadd.s32 @!p3 $0xFFFFFF80  }
0x79: {  	s29 =	smov.u32 s23;
	s23 =	sadd.s32 $0x4000, s23;
	_ =	swait.ge @!p3 [sflag:s30], $0x80  }
0x7a: {  	s24 =	smov.u32 s25;
	s4 =	simm.s32 @!p3 $0x8200;
	[sflag:s30] =	ssyncset.done @!p3 $0x0  }
0x7b: {  	s0 =	simm.s32 @!p3 $0x4;
	s25 =	sadd.s32 $0x40000, s25;
	[sflag:s30] =	ssyncadd.s32 @!p3 $0xFFFFFF80  }
.Ltmp0:
0x7c: {  	s31 =	simm.s32 @!p3 $0x180;
	_ =	swait.ge @!p3 [sflag:s0], $0x8000;
	(pc) =	sbr.rel @p2 .LBB2_2-.Ltmp0, $4  }
0x7d: {  	s30 =	simm.s32 @!p3 $0x80;
	[sflag:s0] =	ssyncset.done @!p3 $0x0;
	s7 =	rddreg [dreg:$0x8]  }
0x7e: {  	[sflag:s0] =	ssyncadd.s32 @!p3 $0xFFFF8000;
	s0 =	simm.s32 @!p3 $0x100;
	p4 =	sge.u32 @!p3 s26, s7  }
0x7f: {  	[spmem:s2] =	stream.indirect.scatter.add.f32 @!p3 [tilespmem:s4], [sflag:$0x6], $0x80, s0, s30, $0xb8;
	[tilespmem:$0x11208] =	vst v63  }
0x80: {  	s26 =	sadd.s32 $0x2, s26;
	s0 =	simm.s32 @!p3 $0xC200;
	p4 =	por p4, p3  }
0x81: {  	[spmem:s2] =	stream.indirect.scatter.add.f32 @!p3 [tilespmem:s0], [sflag:$0x6], $0x80, s31, s30, $0xb8;
	[tilespmem:$0x11208] =	vst v63  }
0x82: {  	s0 =	simm.s32 @!p4 $0x5  }
0x83: {  	_ =	swait.ge @!p4 [sflag:s0], $0x4000  }
0x84: {  	[sflag:s0] =	ssyncset.done @!p4 $0x0  }
0x85: {  	[sflag:s0] =	ssyncadd.s32 @!p4 $0xFFFFC000  }
0x86: {  	_ =	swait.ge @!p4 [sflag:s0], $0x4000  }
0x87: {  	s4 =	sshrl.u32 @!p4 s29, $0x3;
	[sflag:s0] =	ssyncset.done @!p4 $0x0;
	s7 =	rddreg [dreg:$0x9]  }
0x88: {  	[sflag:s0] =	ssyncadd.s32 @!p4 $0xFFFFC000;
	s0 =	sadd.s32 @!p4 s1, s4;
	s4 =	simm.s32 @!p4 $0x0  }
0x89: {  	[tilespmem:s4], [sflag:$0x1] =	stream.linear.gather @!p4 [hbm4b:s0+s4], $0x80, $0x38;
	[tilespmem:$0x11208] =	vst v63  }
0x8a: {  	s0 =	sadd.s32 @!p4 s28, s7;
	s7 =	simm.s32 @!p4 $0x80  }
0x8b: {  	[tilespmem:s7], [sflag:$0x1] =	stream.linear.gather @!p4 [hbm4b:s0+s4], $0x80, $0x38;
	[tilespmem:$0x11208] =	vst v63  }
0x8c: {  	s0 =	sadd.s32 @!p4 $0x20000, s24;
	s7 =	simm.s32 @!p4 $0x200  }
0x8d: {  	[tilespmem:s7], [sflag:$0x3] =	stream.linear.gather @!p4 [hbm4b:s0+s4], $0x8000, $0x38;
	[tilespmem:$0x11208] =	vst v63  }
0x8e: {  	_ =	swait.ge [sflag:s19], $0x4000  }
0x8f: {  	[sflag:s19] =	ssyncset.done $0x0  }
0x90: {  	[sflag:s19] =	ssyncadd.s32 $0xFFFFC000  }
0x91: {  	_ =	swait.ge [sflag:s19], $0x4000  }
0x92: {  	[sflag:s19] =	ssyncset.done $0x0  }
0x93: {  	[sflag:s19] =	ssyncadd.s32 $0xFFFFC000  }
0x94: {  	_ =	swait.ge [sflag:s20], $0x4000  }
0x95: {  	[sflag:s20] =	ssyncset.done $0x0  }
0x96: {  	[sflag:s20] =	ssyncadd.s32 $0xFFFFC000  }
0x97: {  	_ =	swait.ge [sflag:s20], $0x4000  }
0x98: {  	[sflag:s20] =	ssyncset.done $0x0  }
0x99: {  	s0 =	simm.s32 @!p1 $0x0;
	s4 =	simm.s32 @!p1 $0x7;
	[sflag:s20] =	ssyncadd.s32 $0xFFFFC000  }
0x9a: {  	[tilespmem:s0], [sflag:$0x7] =	stream.linear.gather @!p1 [hbm4b:s9+s0], $0x80, $0x38;
	[tilespmem:$0x11208] =	vst v63  }
0x9b: {  	_ =	swait.ge @!p1 [sflag:s4], $0x80  }
0x9c: {  	[sflag:s4] =	ssyncset.done @!p1 $0x0  }
0x9d: {  	s7 =	simm.s32 @!p1 $0x80;
	[sflag:s4] =	ssyncadd.s32 @!p1 $0xFFFFFF80  }
0x9e: {  	[tilespmem:s7], [sflag:$0x7] =	stream.linear.gather @!p1 [hbm4b:s10+s0], $0x20, $0x38;
	[tilespmem:$0x11208] =	vst v63  }
0x9f: {  	_ =	swait.ge @!p1 [sflag:s4], $0x20  }
0xa0: {  	[sflag:s4] =	ssyncset.done @!p1 $0x0  }
0xa1: {  	v0 =	vimm.s32 @!p1 $0x200;
	[sflag:s4] =	ssyncadd.s32 @!p1 $0xFFFFFFE0  }
0xa2: {  	[tilespmem:$0xA0] =	vst @!p1 v0  }
0xa3: {  	[tilespmem:$0xB0] =	vst @!p1 v0  }
0xa4: {  	[tilespmem:$0xC0] =	vst @!p1 v0  }
0xa5: {  	[tilespmem:$0xD0] =	vst @!p1 v0  }
0xa6: {  	[tilespmem:$0xE0] =	vst @!p1 v0  }
0xa7: {  	s17 =	simm.s32 @!p1 $0x200;
	[tilespmem:$0xF0] =	vst @!p1 v0  }
0xa8: {  	[tilespmem:s17], [sflag:$0x7] =	stream.linear.gather @!p1 [hbm4b:s11+s0], $0x5000, $0x38;
	[tilespmem:$0x11208] =	vst v63  }
0xa9: {  	_ =	swait.ge @!p1 [sflag:s4], $0x5000  }
0xaa: {  	[sflag:s4] =	ssyncset.done @!p1 $0x0  }
0xab: {  	[sflag:s4] =	ssyncadd.s32 @!p1 $0xFFFFB000  }
0xac: {  	[spmem:s2] =	stream.indirect.scatter.add.f32 @!p1 [tilespmem:s17], [sflag:$0x5], $0x80, s0, s7, $0xb8;
	[tilespmem:$0x11208] =	vst v63  }
0xad: {  	s0 =	simm.s32 @!p1 $0x4200  }
0xae: {  	[spmem:s2] =	stream.indirect.scatter.add.f32 @!p1 [tilespmem:s0], [sflag:$0x5], $0x80, s7, s7, $0xb8;
	[tilespmem:$0x11208] =	vst v63  }
0xaf: {  	s0 =	simm.s32 @!p1 $0x5  }
0xb0: {  	_ =	swait.ge @!p1 [sflag:s0], $0x4000  }
0xb1: {  	[sflag:s0] =	ssyncset.done @!p1 $0x0  }
0xb2: {  	[sflag:s0] =	ssyncadd.s32 @!p1 $0xFFFFC000  }
0xb3: {  	_ =	swait.ge @!p1 [sflag:s0], $0x4000  }
0xb4: {  	[sflag:s0] =	ssyncset.done @!p1 $0x0  }
0xb5: {  	s21 =	sadd.s32 $0x1, s21;
	[sflag:s0] =	ssyncadd.s32 @!p1 $0xFFFFC000  }
0xb6: {  	p2 =	sne.s32 s21, s13;
	s0 =	simm.s32 @!p0 $0x1C07;
	[bflag:$0x0] =	sbarrier.arrive $0xFFFF  }
0xb7: {  	[hbm:s12], [sflag:s0] =	dma.local @!p0 [spmem:s16], $0x2000  }
.Ltmp1:
0xb8: {  	_ = 	snop;
	(pc) =	sbr.rel @p2 .LBB2_1-.Ltmp1, $4  }
0xb9: {  	s0 =	simm.s32 @!p0 $0x7  }
0xba: {  	_ =	swait.ge @!p0 [sflag:s0], $0x2000  }
0xbb: {  	[sflag:s0] =	ssyncset.done @!p0 $0x0  }
0xbc: {  	[sflag:s0] =	ssyncadd.s32 @!p0 $0xFFFFE000  }
0xbd: {  	_ =	sfence.sel $0x180000  }
0xbe: {  	[bflag:$0x0] =	sbarrier.arrive $0xFFFF  }
0xbf: {  	_ =	strace $0x90000047  }
0xc0: {  	[bflag:$0x2] =	sbarrier.arrive $0xFFFF  }
0xc1: {  	s0 =	rddreg [dreg:$0x4]  }
0xc2: {  	s0 =	sadd.s32 @!p0 $0x100000, s0  }
0xc3: {  	[sflag:s0] =	ssyncadd.tile.s32 @!p0 $0x1;
	_ =	shalt  }
.Lfunc_end2:
_tile_overlayer_lowered:
.L_overlay_start_2:
0xc4: {  	(tag) =	ssettag $0x2  }
0xc5: {  	s0 =	rddreg [dreg:$0x0];
	s2 =	stileid.u32  }
0xc6: {  	s1 =	rddreg [dreg:$0x1];
	p0 =	sne.s32 s2, $0x0  }
0xc7: {  	s3 =	rddreg [dreg:$0x2];
	[bflag:$0x3] =	sbarrier.arrive $0xFFFF;
	s2 =	simm.s32 @!p0 $0x1C07  }
0xc8: {  	[timem:s3], [sflag:s2] =	dma.local @!p0 [hbm:s0], s1  }
0xc9: {  	s0 =	simm.s32 @!p0 $0x7  }
0xca: {  	_ =	swait.ge @!p0 [sflag:s0], s1  }
0xcb: {  	s1 =	ssub.s32 @!p0 $0x0, s1;
	[sflag:s0] =	ssyncset.done @!p0 $0x0  }
0xcc: {  	[sflag:s0] =	ssyncadd.s32 @!p0 s1  }
0xcd: {  	[bflag:$0x3] =	sbarrier.arrive $0xFFFF  }
0xce: {  	_ =	shalt  }

</sc_bundles>
